<compile_context>
chip_gen: v7x
topology: tpu7x:2x2x1
jax: 0.10.2.dev20260603
libtpu: 0.0.44.dev20260713+nightly
codegen_flags: <defaults>
</compile_context>

<pallas_src>
import functools

import jax
import jax.numpy as jnp
from jax import lax
from jax.experimental import pallas as pl
from jax.experimental.pallas import tpu as pltpu
from jax.experimental.pallas import tpu_sc as plsc

N = 10000
IN_CH = 128
HID = 16
OUT_CH = 7
E = 320000

NC = 2
NS = 16
NW = NC * NS
EPW = E // NW
K = 128
NCH = EPW // K
TAIL = EPW - NCH * K
N_PAD = 10112
RPT = N_PAD // NS
NBUF = 32
LAG = 16

_mesh = plsc.VectorSubcoreMesh(
    core_axis_name="c", subcore_axis_name="s", num_cores=NC, num_subcores=NS)
_sc_params = pltpu.CompilerParams(use_tc_tiling_on_sc=False)


def _wid():
    return lax.axis_index("s") * NC + lax.axis_index("c")


@functools.partial(
    pl.kernel,
    out_type=jax.ShapeDtypeStruct((NC, N_PAD, HID), jnp.float32),
    mesh=_mesh,
    scratch_types=[
        pltpu.VMEM((EPW,), jnp.int32),
        pltpu.VMEM((K, HID), jnp.float32),
        pltpu.VMEM_SHARED((N_PAD, HID), jnp.float32),
        pltpu.SemaphoreType.DMA,
    ],
    compiler_params=_sc_params,
)
def _deg(ei_hbm, ones_hbm, zero_hbm, out_hbm, didx_v, ones_v, acc_ref, ssem):
    c = lax.axis_index("c")
    s = lax.axis_index("s")
    w = _wid()
    r0 = s * RPT

    pltpu.sync_copy(zero_hbm, acc_ref.at[pl.ds(r0, RPT)])
    pltpu.sync_copy(ei_hbm.at[pl.ds(w * EPW, EPW)], didx_v)
    pltpu.sync_copy(ones_hbm, ones_v)
    plsc.subcore_barrier()

    def drain():
        pltpu.make_async_copy(
            ones_v, acc_ref.at[didx_v.at[pl.ds(0, K)]], ssem).wait()

    def body(j, _):
        pltpu.async_copy(
            ones_v, acc_ref.at[didx_v.at[pl.ds(j * K, K)]], ssem, add=True)

        @pl.when(j >= 24)
        def _():
            drain()
        return 0

    lax.fori_loop(0, NCH, body, 0)

    def tailw(j, _):
        drain()
        return 0

    lax.fori_loop(0, 24, tailw, 0)
    pltpu.async_copy(
        ones_v.at[pl.ds(0, TAIL)],
        acc_ref.at[didx_v.at[pl.ds(NCH * K, TAIL)]], ssem, add=True)
    pltpu.make_async_copy(
        ones_v.at[pl.ds(0, TAIL)],
        acc_ref.at[didx_v.at[pl.ds(0, TAIL)]], ssem).wait()

    plsc.subcore_barrier()
    pltpu.sync_copy(acc_ref.at[pl.ds(r0, RPT)],
                    out_hbm.at[c, pl.ds(r0, RPT)])


@functools.partial(
    pl.kernel,
    out_type=jax.ShapeDtypeStruct((NC, N_PAD, HID), jnp.float32),
    mesh=_mesh,
    scratch_types=[
        pltpu.VMEM((EPW,), jnp.int32),
        pltpu.VMEM((EPW,), jnp.int32),
        pltpu.VMEM((NBUF, K, HID), jnp.float32),
        pltpu.VMEM_SHARED((N_PAD, HID), jnp.float32),
        pltpu.SemaphoreType.DMA,
        pltpu.SemaphoreType.DMA,
    ],
    compiler_params=_sc_params,
)
def _agg(z_hbm, ei_hbm, zero_hbm, out_hbm,
         gidx_v, sidx_v, gbuf, acc_ref, gsem, ssem):
    c = lax.axis_index("c")
    s = lax.axis_index("s")
    w = _wid()
    r0 = s * RPT

    pltpu.sync_copy(zero_hbm, acc_ref.at[pl.ds(r0, RPT)])
    pltpu.sync_copy(ei_hbm.at[pl.ds(w * EPW, EPW)], gidx_v)
    pltpu.sync_copy(ei_hbm.at[pl.ds(E + w * EPW, EPW)], sidx_v)
    plsc.subcore_barrier()

    def start_gather(j, b):
        pltpu.async_copy(
            z_hbm.at[gidx_v.at[pl.ds(j * K, K)]], gbuf.at[b], gsem)

    def wait_gather():
        pltpu.make_async_copy(
            z_hbm.at[gidx_v.at[pl.ds(0, K)]], gbuf.at[0], gsem).wait()

    def start_scatter(j, b):
        pltpu.async_copy(
            gbuf.at[b], acc_ref.at[sidx_v.at[pl.ds(j * K, K)]], ssem, add=True)

    def wait_scatter():
        pltpu.make_async_copy(
            gbuf.at[0], acc_ref.at[sidx_v.at[pl.ds(0, K)]], ssem).wait()

    for g in range(NBUF - LAG):
        start_gather(g, g)

    def body(j, _):
        wait_gather()

        @pl.when(j >= LAG)
        def _():
            wait_scatter()

        g = j + NBUF - LAG

        @pl.when(g < NCH)
        def _():
            start_gather(g, lax.rem(g, NBUF))

        start_scatter(j, lax.rem(j, NBUF))
        return 0

    lax.fori_loop(0, NCH, body, 0)

    def tailw(j, _):
        wait_scatter()
        return 0

    lax.fori_loop(0, LAG, tailw, 0)

    tb = gbuf.at[0, pl.ds(0, TAIL)]
    pltpu.async_copy(
        z_hbm.at[gidx_v.at[pl.ds(NCH * K, TAIL)]], tb, gsem).wait()
    pltpu.async_copy(
        tb, acc_ref.at[sidx_v.at[pl.ds(NCH * K, TAIL)]], ssem, add=True)
    pltpu.make_async_copy(
        tb, acc_ref.at[sidx_v.at[pl.ds(0, TAIL)]], ssem).wait()

    plsc.subcore_barrier()
    pltpu.sync_copy(acc_ref.at[pl.ds(r0, RPT)],
                    out_hbm.at[c, pl.ds(r0, RPT)])


FR = N_PAD * HID // 128
FRN = N * HID // 128


def _mm1_body(x3_ref, w_ref, y_ref):
    w = w_ref[...]
    y_ref[...] = jnp.concatenate(
        [jnp.dot(x3_ref[:, a, :], w, preferred_element_type=jnp.float32)
         for a in range(8)], axis=1)


def _scale1_body(y_ref, degp_ref, z_ref, d_ref):
    df = lax.rsqrt(degp_ref[0] + degp_ref[1] + 1.0)
    z_ref[...] = jnp.pad(y_ref[...] * df[:FRN], ((0, FR - FRN), (0, 0)))
    d_ref[...] = df


def _lin2_body(aggp_ref, z1_ref, d_ref, wb_ref, z2_ref):
    df = d_ref[...]
    hf = jnp.maximum(df * (aggp_ref[0] + aggp_ref[1] + z1_ref[...]), 0.0)
    z2_ref[...] = jnp.dot(hf, wb_ref[...],
                          preferred_element_type=jnp.float32) * df


def _fin_body(aggp_ref, z2_ref, d_ref, out_ref):
    df = d_ref[:FRN]
    hf = df * (aggp_ref[0, :FRN] + aggp_ref[1, :FRN] + z2_ref[:FRN])
    lane = lax.broadcasted_iota(jnp.int32, (FRN, 128), 1)
    hm = jnp.where(lane % HID < OUT_CH, hf, -1e30)
    m = jnp.max(hm, axis=1, keepdims=True)
    e = jnp.exp(hm - m)
    li = lax.broadcasted_iota(jnp.int32, (128, 128), 0)
    lj = lax.broadcasted_iota(jnp.int32, (128, 128), 1)
    ones_blk = (li // HID == lj // HID).astype(jnp.float32)
    ssum = jnp.dot(e, ones_blk, precision=lax.Precision.HIGHEST,
                   preferred_element_type=jnp.float32)
    out_ref[...] = hf - (jnp.log(ssum) + m)


def _flat(a):
    return a.reshape(a.shape[0], FR, 128)


def kernel(x, edge_index, W1, W2):
    ei = edge_index.astype(jnp.int32).reshape(2 * E)
    x3 = x.reshape(FRN, 8, IN_CH)
    w2b = jnp.kron(jnp.eye(8, dtype=jnp.float32),
                   jnp.pad(W2, ((0, 0), (0, HID - OUT_CH))))

    ones = jnp.ones((K, HID), jnp.float32)
    zero = jnp.zeros((RPT, HID), jnp.float32)

    yf = pl.pallas_call(
        _mm1_body,
        out_shape=jax.ShapeDtypeStruct((FRN, 128), jnp.float32),
    )(x3, W1)

    degp = _flat(_deg(ei, ones, zero))

    z1f, df = pl.pallas_call(
        _scale1_body,
        out_shape=(
            jax.ShapeDtypeStruct((FR, 128), jnp.float32),
            jax.ShapeDtypeStruct((FR, 128), jnp.float32),
        ),
    )(yf, degp)

    aggp1 = _flat(_agg(z1f.reshape(N_PAD, HID), ei, zero))

    z2f = pl.pallas_call(
        _lin2_body,
        out_shape=jax.ShapeDtypeStruct((FR, 128), jnp.float32),
    )(aggp1, z1f, df, w2b)

    aggp2 = _flat(_agg(z2f.reshape(N_PAD, HID), ei, zero))

    res = pl.pallas_call(
        _fin_body,
        out_shape=jax.ShapeDtypeStruct((FRN, 128), jnp.float32),
    )(aggp2, z2f, df)

    return res.reshape(N, HID)[:, :OUT_CH]

# --- scband reference (transcript-rebuilt; emitter-appended) ---
"""Pipeline reference for scband-gcn4-node-23871428232062 (READ-ONLY COPY).

The authoritative reference and input builder live on the scoring server;
editing this copy changes nothing except your own understanding.
"""

import jax, jax.numpy as jnp
import numpy as np

N_NODES = 10000
N_EDGES = 320000
IN_CH = 128
HIDDEN = 16
OUT_CH = 7


def setup_inputs(seed: int = 0) -> dict:
    key = jax.random.key(seed)
    k1, k2, k3, k4 = jax.random.split(key, 4)
    x = jax.random.normal(k1, (N_NODES, IN_CH), dtype=jnp.float32)
    edge_index = jax.random.randint(k2, (2, N_EDGES), 0, N_NODES, dtype=jnp.int64)
    # glorot-initialized linear weights (stored as [in, out] for x @ W)
    s1 = float(np.sqrt(6.0 / (IN_CH + HIDDEN)))
    W1 = jax.random.uniform(k3, (IN_CH, HIDDEN), dtype=jnp.float32, minval=-s1, maxval=s1)
    s2 = float(np.sqrt(6.0 / (HIDDEN + OUT_CH)))
    W2 = jax.random.uniform(k4, (HIDDEN, OUT_CH), dtype=jnp.float32, minval=-s2, maxval=s2)
    return {"x": x, "edge_index": edge_index, "W1": W1, "W2": W2}


def _gcn_conv(x, edge_index, W):
    # MyGCNConv: add self loops, linear, propagate with sym-ish norm
    n = x.shape[0]
    loops = jnp.arange(n, dtype=edge_index.dtype)
    ei = jnp.concatenate([edge_index, jnp.stack([loops, loops], axis=0)], axis=1)
    x = x @ W
    row, col = ei[0], ei[1]
    # degree computed over row (source) indices, as in message()
    deg = jnp.zeros((n,), dtype=x.dtype).at[row].add(1.0)
    deg_inv_sqrt = deg ** -0.5
    deg_inv_sqrt = jnp.where(jnp.isinf(deg_inv_sqrt), 0.0, deg_inv_sqrt)
    norm = deg_inv_sqrt[row] * deg_inv_sqrt[col]
    msg = norm[:, None] * x[row]  # x_j = x[edge_index[0]]
    out = jnp.zeros((n, x.shape[1]), dtype=x.dtype).at[col].add(msg)
    return out


def reference(x, edge_index, W1, W2):
    # eval-mode: dropout_edge and nn.Dropout are identity (deterministic)
    h = _gcn_conv(x, edge_index, W1)
    h = jax.nn.relu(h)
    h = _gcn_conv(h, edge_index, W2)
    # log_softmax over dim=1
    out = h - jax.scipy.special.logsumexp(h, axis=1, keepdims=True)
    return out

if __name__ == "__main__":
    import jax
    _d = setup_inputs()
    print(jax.jit(kernel)(*tuple(_d.values())))

</pallas_src>

<mosaic_0001>
#map = affine_map<(d0, d1) -> (0, 0)>
#map1 = affine_map<(d0, d1) -> (0)>
#map2 = affine_map<(d0, d1) -> (0, 0, 0)>
module attributes {stable_mosaic.version = 14 : i64} {
  func.func @_agg(%arg0: i32, %arg1: i32, %arg2: memref<10112x16xf32, #tpu.memory_space<hbm>>, %arg3: memref<640000xi32, #tpu.memory_space<hbm>>, %arg4: memref<632x16xf32, #tpu.memory_space<hbm>>, %arg5: memref<2x10112x16xf32, #tpu.memory_space<hbm>>, %arg6: memref<10000xi32, #tpu.memory_space<vmem>>, %arg7: memref<10000xi32, #tpu.memory_space<vmem>>, %arg8: memref<32x128x16xf32, #tpu.memory_space<vmem>>, %arg9: memref<10112x16xf32, #tpu.memory_space<vmem_shared>>, %arg10: memref<!tpu.dma_semaphore, #tpu.memory_space<semaphore_mem>>, %arg11: memref<!tpu.dma_semaphore, #tpu.memory_space<semaphore_mem>>) attributes {dimension_semantics = [#tpu.dimension_semantics<core_parallel>, #tpu.dimension_semantics<subcore_parallel>], iteration_bounds = array<i64: 2, 16>, scalar_prefetch = 0 : i64, scratch_operands = 6 : i64, tpu.core_type = #tpu.core_type<sc_vector_subcore>, window_params = [{transform_indices = #map}, {transform_indices = #map1}, {transform_indices = #map}, {transform_indices = #map2}]} {
    %mul3A = arith.constant 2 : i32
    %mul3A_0 = arith.muli %arg1, %mul3A : i32
    %add3A = arith.addi %mul3A_0, %arg0 : i32
    %mul3A_1 = arith.constant 632 : i32
    %mul3A_2 = arith.muli %arg1, %mul3A_1 : i32
    "tpu.region"() ({
      %run_scoped3A = tpu.sem_alloc : memref<!tpu.dma_semaphore, #tpu.memory_space<semaphore_mem>>
      %dma_start3A_221 = arith.constant 0 : i32
      %dma_start3A_222 = tpu.memref_slice %arg9[%mul3A_2, %dma_start3A_221] : memref<10112x16xf32, #tpu.memory_space<vmem_shared>> -> memref<632x16xf32, #tpu.memory_space<vmem_shared>>
      tpu.enqueue_dma source(%arg4 : memref<632x16xf32, #tpu.memory_space<hbm>>) target(%dma_start3A_222 : memref<632x16xf32, #tpu.memory_space<vmem_shared>>) target_semaphore(%run_scoped3A : memref<!tpu.dma_semaphore, #tpu.memory_space<semaphore_mem>>)
      %dma_wait3A_223 = arith.constant 0 : i32
      %dma_wait3A_224 = tpu.memref_slice %arg9[%mul3A_2, %dma_wait3A_223] : memref<10112x16xf32, #tpu.memory_space<vmem_shared>> -> memref<632x16xf32, #tpu.memory_space<vmem_shared>>
      tpu.wait_dma2 semaphore(%run_scoped3A : memref<!tpu.dma_semaphore, #tpu.memory_space<semaphore_mem>>) src(%arg4 : memref<632x16xf32, #tpu.memory_space<hbm>>) dst(%dma_wait3A_224 : memref<632x16xf32, #tpu.memory_space<vmem_shared>>)
      tpu.yield
    }) : () -> ()
    %mul3A_3 = arith.constant 10000 : i32
    %mul3A_4 = arith.muli %add3A, %mul3A_3 : i32
    "tpu.region"() ({
      %run_scoped3A = tpu.sem_alloc : memref<!tpu.dma_semaphore, #tpu.memory_space<semaphore_mem>>
      %dma_start3A_221 = tpu.memref_slice %arg3[%mul3A_4] : memref<640000xi32, #tpu.memory_space<hbm>> -> memref<10000xi32, #tpu.memory_space<hbm>>
      %dma_start3A_222 = tpu.memref_slice %arg3[%mul3A_4] : memref<640000xi32, #tpu.memory_space<hbm>> -> memref<10000xi32, #tpu.memory_space<hbm>>
      tpu.enqueue_dma source(%dma_start3A_222 : memref<10000xi32, #tpu.memory_space<hbm>>) target(%arg6 : memref<10000xi32, #tpu.memory_space<vmem>>) target_semaphore(%run_scoped3A : memref<!tpu.dma_semaphore, #tpu.memory_space<semaphore_mem>>)
      %dma_wait3A_223 = tpu.memref_slice %arg3[%mul3A_4] : memref<640000xi32, #tpu.memory_space<hbm>> -> memref<10000xi32, #tpu.memory_space<hbm>>
      %dma_wait3A_224 = tpu.memref_slice %arg3[%mul3A_4] : memref<640000xi32, #tpu.memory_space<hbm>> -> memref<10000xi32, #tpu.memory_space<hbm>>
      tpu.wait_dma2 semaphore(%run_scoped3A : memref<!tpu.dma_semaphore, #tpu.memory_space<semaphore_mem>>) src(%dma_wait3A_224 : memref<10000xi32, #tpu.memory_space<hbm>>) dst(%arg6 : memref<10000xi32, #tpu.memory_space<vmem>>)
      tpu.yield
    }) : () -> ()
    %mul3A_5 = arith.constant 10000 : i32
    %mul3A_6 = arith.muli %add3A, %mul3A_5 : i32
    %add3A_7 = arith.constant 320000 : i32
    %add3A_8 = arith.addi %add3A_7, %mul3A_6 : i32
    "tpu.region"() ({
      %run_scoped3A = tpu.sem_alloc : memref<!tpu.dma_semaphore, #tpu.memory_space<semaphore_mem>>
      %dma_start3A_221 = tpu.memref_slice %arg3[%add3A_8] : memref<640000xi32, #tpu.memory_space<hbm>> -> memref<10000xi32, #tpu.memory_space<hbm>>
      %dma_start3A_222 = tpu.memref_slice %arg3[%add3A_8] : memref<640000xi32, #tpu.memory_space<hbm>> -> memref<10000xi32, #tpu.memory_space<hbm>>
      tpu.enqueue_dma source(%dma_start3A_222 : memref<10000xi32, #tpu.memory_space<hbm>>) target(%arg7 : memref<10000xi32, #tpu.memory_space<vmem>>) target_semaphore(%run_scoped3A : memref<!tpu.dma_semaphore, #tpu.memory_space<semaphore_mem>>)
      %dma_wait3A_223 = tpu.memref_slice %arg3[%add3A_8] : memref<640000xi32, #tpu.memory_space<hbm>> -> memref<10000xi32, #tpu.memory_space<hbm>>
      %dma_wait3A_224 = tpu.memref_slice %arg3[%add3A_8] : memref<640000xi32, #tpu.memory_space<hbm>> -> memref<10000xi32, #tpu.memory_space<hbm>>
      tpu.wait_dma2 semaphore(%run_scoped3A : memref<!tpu.dma_semaphore, #tpu.memory_space<semaphore_mem>>) src(%dma_wait3A_224 : memref<10000xi32, #tpu.memory_space<hbm>>) dst(%arg7 : memref<10000xi32, #tpu.memory_space<vmem>>)
      tpu.yield
    }) : () -> ()
    %barrier3A = arith.constant 0 : index
    tpu.barrier barrier_id(%barrier3A)
    %dma_start3A = arith.constant 0 : i32
    %dma_start3A_9 = arith.constant 0 : i32
    %dma_start3A_10 = arith.constant 0 : i32
    %dma_start3A_11 = tpu.memref_slice %arg8[%dma_start3A, %dma_start3A_9, %dma_start3A_10] : memref<32x128x16xf32, #tpu.memory_space<vmem>> -> memref<1x128x16xf32, #tpu.memory_space<vmem>>
    %dma_start3A_12 = tpu.memref_squeeze %dma_start3A_11 : memref<1x128x16xf32, #tpu.memory_space<vmem>> -> memref<128x16xf32, #tpu.memory_space<vmem>>
    %dma_start3A_13 = arith.constant 0 : i32
    %dma_start3A_14 = tpu.memref_slice %arg6[%dma_start3A_13] : memref<10000xi32, #tpu.memory_space<vmem>> -> memref<128xi32, #tpu.memory_space<vmem>>
    %dma_start3A_15 = arith.constant 0 : i32
    %dma_start3A_16 = arith.constant 0 : i32
    %dma_start3A_17 = tpu.memref_slice %arg2[%dma_start3A_15, %dma_start3A_16] : memref<10112x16xf32, #tpu.memory_space<hbm>> -> memref<10112x16xf32, #tpu.memory_space<hbm>>
    tpu.enqueue_indirect_dma source(%dma_start3A_17 : memref<10112x16xf32, #tpu.memory_space<hbm>>) target(%dma_start3A_12 : memref<128x16xf32, #tpu.memory_space<vmem>>) offsets(%dma_start3A_14 : memref<128xi32, #tpu.memory_space<vmem>>) semaphore(%arg10 : memref<!tpu.dma_semaphore, #tpu.memory_space<semaphore_mem>>)
    %dma_start3A_18 = arith.constant 1 : i32
    %dma_start3A_19 = arith.constant 0 : i32
    %dma_start3A_20 = arith.constant 0 : i32
    %dma_start3A_21 = tpu.memref_slice %arg8[%dma_start3A_18, %dma_start3A_19, %dma_start3A_20] : memref<32x128x16xf32, #tpu.memory_space<vmem>> -> memref<1x128x16xf32, #tpu.memory_space<vmem>>
    %dma_start3A_22 = tpu.memref_squeeze %dma_start3A_21 : memref<1x128x16xf32, #tpu.memory_space<vmem>> -> memref<128x16xf32, #tpu.memory_space<vmem>>
    %dma_start3A_23 = arith.constant 128 : i32
    %dma_start3A_24 = tpu.memref_slice %arg6[%dma_start3A_23] : memref<10000xi32, #tpu.memory_space<vmem>> -> memref<128xi32, #tpu.memory_space<vmem>>
    %dma_start3A_25 = arith.constant 0 : i32
    %dma_start3A_26 = arith.constant 0 : i32
    %dma_start3A_27 = tpu.memref_slice %arg2[%dma_start3A_25, %dma_start3A_26] : memref<10112x16xf32, #tpu.memory_space<hbm>> -> memref<10112x16xf32, #tpu.memory_space<hbm>>
    tpu.enqueue_indirect_dma source(%dma_start3A_27 : memref<10112x16xf32, #tpu.memory_space<hbm>>) target(%dma_start3A_22 : memref<128x16xf32, #tpu.memory_space<vmem>>) offsets(%dma_start3A_24 : memref<128xi32, #tpu.memory_space<vmem>>) semaphore(%arg10 : memref<!tpu.dma_semaphore, #tpu.memory_space<semaphore_mem>>)
    %dma_start3A_28 = arith.constant 2 : i32
    %dma_start3A_29 = arith.constant 0 : i32
    %dma_start3A_30 = arith.constant 0 : i32
    %dma_start3A_31 = tpu.memref_slice %arg8[%dma_start3A_28, %dma_start3A_29, %dma_start3A_30] : memref<32x128x16xf32, #tpu.memory_space<vmem>> -> memref<1x128x16xf32, #tpu.memory_space<vmem>>
    %dma_start3A_32 = tpu.memref_squeeze %dma_start3A_31 : memref<1x128x16xf32, #tpu.memory_space<vmem>> -> memref<128x16xf32, #tpu.memory_space<vmem>>
    %dma_start3A_33 = arith.constant 256 : i32
    %dma_start3A_34 = tpu.memref_slice %arg6[%dma_start3A_33] : memref<10000xi32, #tpu.memory_space<vmem>> -> memref<128xi32, #tpu.memory_space<vmem>>
    %dma_start3A_35 = arith.constant 0 : i32
    %dma_start3A_36 = arith.constant 0 : i32
    %dma_start3A_37 = tpu.memref_slice %arg2[%dma_start3A_35, %dma_start3A_36] : memref<10112x16xf32, #tpu.memory_space<hbm>> -> memref<10112x16xf32, #tpu.memory_space<hbm>>
    tpu.enqueue_indirect_dma source(%dma_start3A_37 : memref<10112x16xf32, #tpu.memory_space<hbm>>) target(%dma_start3A_32 : memref<128x16xf32, #tpu.memory_space<vmem>>) offsets(%dma_start3A_34 : memref<128xi32, #tpu.memory_space<vmem>>) semaphore(%arg10 : memref<!tpu.dma_semaphore, #tpu.memory_space<semaphore_mem>>)
    %dma_start3A_38 = arith.constant 3 : i32
    %dma_start3A_39 = arith.constant 0 : i32
    %dma_start3A_40 = arith.constant 0 : i32
    %dma_start3A_41 = tpu.memref_slice %arg8[%dma_start3A_38, %dma_start3A_39, %dma_start3A_40] : memref<32x128x16xf32, #tpu.memory_space<vmem>> -> memref<1x128x16xf32, #tpu.memory_space<vmem>>
    %dma_start3A_42 = tpu.memref_squeeze %dma_start3A_41 : memref<1x128x16xf32, #tpu.memory_space<vmem>> -> memref<128x16xf32, #tpu.memory_space<vmem>>
    %dma_start3A_43 = arith.constant 384 : i32
    %dma_start3A_44 = tpu.memref_slice %arg6[%dma_start3A_43] : memref<10000xi32, #tpu.memory_space<vmem>> -> memref<128xi32, #tpu.memory_space<vmem>>
    %dma_start3A_45 = arith.constant 0 : i32
    %dma_start3A_46 = arith.constant 0 : i32
    %dma_start3A_47 = tpu.memref_slice %arg2[%dma_start3A_45, %dma_start3A_46] : memref<10112x16xf32, #tpu.memory_space<hbm>> -> memref<10112x16xf32, #tpu.memory_space<hbm>>
    tpu.enqueue_indirect_dma source(%dma_start3A_47 : memref<10112x16xf32, #tpu.memory_space<hbm>>) target(%dma_start3A_42 : memref<128x16xf32, #tpu.memory_space<vmem>>) offsets(%dma_start3A_44 : memref<128xi32, #tpu.memory_space<vmem>>) semaphore(%arg10 : memref<!tpu.dma_semaphore, #tpu.memory_space<semaphore_mem>>)
    %dma_start3A_48 = arith.constant 4 : i32
    %dma_start3A_49 = arith.constant 0 : i32
    %dma_start3A_50 = arith.constant 0 : i32
    %dma_start3A_51 = tpu.memref_slice %arg8[%dma_start3A_48, %dma_start3A_49, %dma_start3A_50] : memref<32x128x16xf32, #tpu.memory_space<vmem>> -> memref<1x128x16xf32, #tpu.memory_space<vmem>>
    %dma_start3A_52 = tpu.memref_squeeze %dma_start3A_51 : memref<1x128x16xf32, #tpu.memory_space<vmem>> -> memref<128x16xf32, #tpu.memory_space<vmem>>
    %dma_start3A_53 = arith.constant 512 : i32
    %dma_start3A_54 = tpu.memref_slice %arg6[%dma_start3A_53] : memref<10000xi32, #tpu.memory_space<vmem>> -> memref<128xi32, #tpu.memory_space<vmem>>
    %dma_start3A_55 = arith.constant 0 : i32
    %dma_start3A_56 = arith.constant 0 : i32
    %dma_start3A_57 = tpu.memref_slice %arg2[%dma_start3A_55, %dma_start3A_56] : memref<10112x16xf32, #tpu.memory_space<hbm>> -> memref<10112x16xf32, #tpu.memory_space<hbm>>
    tpu.enqueue_indirect_dma source(%dma_start3A_57 : memref<10112x16xf32, #tpu.memory_space<hbm>>) target(%dma_start3A_52 : memref<128x16xf32, #tpu.memory_space<vmem>>) offsets(%dma_start3A_54 : memref<128xi32, #tpu.memory_space<vmem>>) semaphore(%arg10 : memref<!tpu.dma_semaphore, #tpu.memory_space<semaphore_mem>>)
    %dma_start3A_58 = arith.constant 5 : i32
    %dma_start3A_59 = arith.constant 0 : i32
    %dma_start3A_60 = arith.constant 0 : i32
    %dma_start3A_61 = tpu.memref_slice %arg8[%dma_start3A_58, %dma_start3A_59, %dma_start3A_60] : memref<32x128x16xf32, #tpu.memory_space<vmem>> -> memref<1x128x16xf32, #tpu.memory_space<vmem>>
    %dma_start3A_62 = tpu.memref_squeeze %dma_start3A_61 : memref<1x128x16xf32, #tpu.memory_space<vmem>> -> memref<128x16xf32, #tpu.memory_space<vmem>>
    %dma_start3A_63 = arith.constant 640 : i32
    %dma_start3A_64 = tpu.memref_slice %arg6[%dma_start3A_63] : memref<10000xi32, #tpu.memory_space<vmem>> -> memref<128xi32, #tpu.memory_space<vmem>>
    %dma_start3A_65 = arith.constant 0 : i32
    %dma_start3A_66 = arith.constant 0 : i32
    %dma_start3A_67 = tpu.memref_slice %arg2[%dma_start3A_65, %dma_start3A_66] : memref<10112x16xf32, #tpu.memory_space<hbm>> -> memref<10112x16xf32, #tpu.memory_space<hbm>>
    tpu.enqueue_indirect_dma source(%dma_start3A_67 : memref<10112x16xf32, #tpu.memory_space<hbm>>) target(%dma_start3A_62 : memref<128x16xf32, #tpu.memory_space<vmem>>) offsets(%dma_start3A_64 : memref<128xi32, #tpu.memory_space<vmem>>) semaphore(%arg10 : memref<!tpu.dma_semaphore, #tpu.memory_space<semaphore_mem>>)
    %dma_start3A_68 = arith.constant 6 : i32
    %dma_start3A_69 = arith.constant 0 : i32
    %dma_start3A_70 = arith.constant 0 : i32
    %dma_start3A_71 = tpu.memref_slice %arg8[%dma_start3A_68, %dma_start3A_69, %dma_start3A_70] : memref<32x128x16xf32, #tpu.memory_space<vmem>> -> memref<1x128x16xf32, #tpu.memory_space<vmem>>
    %dma_start3A_72 = tpu.memref_squeeze %dma_start3A_71 : memref<1x128x16xf32, #tpu.memory_space<vmem>> -> memref<128x16xf32, #tpu.memory_space<vmem>>
    %dma_start3A_73 = arith.constant 768 : i32
    %dma_start3A_74 = tpu.memref_slice %arg6[%dma_start3A_73] : memref<10000xi32, #tpu.memory_space<vmem>> -> memref<128xi32, #tpu.memory_space<vmem>>
    %dma_start3A_75 = arith.constant 0 : i32
    %dma_start3A_76 = arith.constant 0 : i32
    %dma_start3A_77 = tpu.memref_slice %arg2[%dma_start3A_75, %dma_start3A_76] : memref<10112x16xf32, #tpu.memory_space<hbm>> -> memref<10112x16xf32, #tpu.memory_space<hbm>>
    tpu.enqueue_indirect_dma source(%dma_start3A_77 : memref<10112x16xf32, #tpu.memory_space<hbm>>) target(%dma_start3A_72 : memref<128x16xf32, #tpu.memory_space<vmem>>) offsets(%dma_start3A_74 : memref<128xi32, #tpu.memory_space<vmem>>) semaphore(%arg10 : memref<!tpu.dma_semaphore, #tpu.memory_space<semaphore_mem>>)
    %dma_start3A_78 = arith.constant 7 : i32
    %dma_start3A_79 = arith.constant 0 : i32
    %dma_start3A_80 = arith.constant 0 : i32
    %dma_start3A_81 = tpu.memref_slice %arg8[%dma_start3A_78, %dma_start3A_79, %dma_start3A_80] : memref<32x128x16xf32, #tpu.memory_space<vmem>> -> memref<1x128x16xf32, #tpu.memory_space<vmem>>
    %dma_start3A_82 = tpu.memref_squeeze %dma_start3A_81 : memref<1x128x16xf32, #tpu.memory_space<vmem>> -> memref<128x16xf32, #tpu.memory_space<vmem>>
    %dma_start3A_83 = arith.constant 896 : i32
    %dma_start3A_84 = tpu.memref_slice %arg6[%dma_start3A_83] : memref<10000xi32, #tpu.memory_space<vmem>> -> memref<128xi32, #tpu.memory_space<vmem>>
    %dma_start3A_85 = arith.constant 0 : i32
    %dma_start3A_86 = arith.constant 0 : i32
    %dma_start3A_87 = tpu.memref_slice %arg2[%dma_start3A_85, %dma_start3A_86] : memref<10112x16xf32, #tpu.memory_space<hbm>> -> memref<10112x16xf32, #tpu.memory_space<hbm>>
    tpu.enqueue_indirect_dma source(%dma_start3A_87 : memref<10112x16xf32, #tpu.memory_space<hbm>>) target(%dma_start3A_82 : memref<128x16xf32, #tpu.memory_space<vmem>>) offsets(%dma_start3A_84 : memref<128xi32, #tpu.memory_space<vmem>>) semaphore(%arg10 : memref<!tpu.dma_semaphore, #tpu.memory_space<semaphore_mem>>)
    %dma_start3A_88 = arith.constant 8 : i32
    %dma_start3A_89 = arith.constant 0 : i32
    %dma_start3A_90 = arith.constant 0 : i32
    %dma_start3A_91 = tpu.memref_slice %arg8[%dma_start3A_88, %dma_start3A_89, %dma_start3A_90] : memref<32x128x16xf32, #tpu.memory_space<vmem>> -> memref<1x128x16xf32, #tpu.memory_space<vmem>>
    %dma_start3A_92 = tpu.memref_squeeze %dma_start3A_91 : memref<1x128x16xf32, #tpu.memory_space<vmem>> -> memref<128x16xf32, #tpu.memory_space<vmem>>
    %dma_start3A_93 = arith.constant 1024 : i32
    %dma_start3A_94 = tpu.memref_slice %arg6[%dma_start3A_93] : memref<10000xi32, #tpu.memory_space<vmem>> -> memref<128xi32, #tpu.memory_space<vmem>>
    %dma_start3A_95 = arith.constant 0 : i32
    %dma_start3A_96 = arith.constant 0 : i32
    %dma_start3A_97 = tpu.memref_slice %arg2[%dma_start3A_95, %dma_start3A_96] : memref<10112x16xf32, #tpu.memory_space<hbm>> -> memref<10112x16xf32, #tpu.memory_space<hbm>>
    tpu.enqueue_indirect_dma source(%dma_start3A_97 : memref<10112x16xf32, #tpu.memory_space<hbm>>) target(%dma_start3A_92 : memref<128x16xf32, #tpu.memory_space<vmem>>) offsets(%dma_start3A_94 : memref<128xi32, #tpu.memory_space<vmem>>) semaphore(%arg10 : memref<!tpu.dma_semaphore, #tpu.memory_space<semaphore_mem>>)
    %dma_start3A_98 = arith.constant 9 : i32
    %dma_start3A_99 = arith.constant 0 : i32
    %dma_start3A_100 = arith.constant 0 : i32
    %dma_start3A_101 = tpu.memref_slice %arg8[%dma_start3A_98, %dma_start3A_99, %dma_start3A_100] : memref<32x128x16xf32, #tpu.memory_space<vmem>> -> memref<1x128x16xf32, #tpu.memory_space<vmem>>
    %dma_start3A_102 = tpu.memref_squeeze %dma_start3A_101 : memref<1x128x16xf32, #tpu.memory_space<vmem>> -> memref<128x16xf32, #tpu.memory_space<vmem>>
    %dma_start3A_103 = arith.constant 1152 : i32
    %dma_start3A_104 = tpu.memref_slice %arg6[%dma_start3A_103] : memref<10000xi32, #tpu.memory_space<vmem>> -> memref<128xi32, #tpu.memory_space<vmem>>
    %dma_start3A_105 = arith.constant 0 : i32
    %dma_start3A_106 = arith.constant 0 : i32
    %dma_start3A_107 = tpu.memref_slice %arg2[%dma_start3A_105, %dma_start3A_106] : memref<10112x16xf32, #tpu.memory_space<hbm>> -> memref<10112x16xf32, #tpu.memory_space<hbm>>
    tpu.enqueue_indirect_dma source(%dma_start3A_107 : memref<10112x16xf32, #tpu.memory_space<hbm>>) target(%dma_start3A_102 : memref<128x16xf32, #tpu.memory_space<vmem>>) offsets(%dma_start3A_104 : memref<128xi32, #tpu.memory_space<vmem>>) semaphore(%arg10 : memref<!tpu.dma_semaphore, #tpu.memory_space<semaphore_mem>>)
    %dma_start3A_108 = arith.constant 10 : i32
    %dma_start3A_109 = arith.constant 0 : i32
    %dma_start3A_110 = arith.constant 0 : i32
    %dma_start3A_111 = tpu.memref_slice %arg8[%dma_start3A_108, %dma_start3A_109, %dma_start3A_110] : memref<32x128x16xf32, #tpu.memory_space<vmem>> -> memref<1x128x16xf32, #tpu.memory_space<vmem>>
    %dma_start3A_112 = tpu.memref_squeeze %dma_start3A_111 : memref<1x128x16xf32, #tpu.memory_space<vmem>> -> memref<128x16xf32, #tpu.memory_space<vmem>>
    %dma_start3A_113 = arith.constant 1280 : i32
    %dma_start3A_114 = tpu.memref_slice %arg6[%dma_start3A_113] : memref<10000xi32, #tpu.memory_space<vmem>> -> memref<128xi32, #tpu.memory_space<vmem>>
    %dma_start3A_115 = arith.constant 0 : i32
    %dma_start3A_116 = arith.constant 0 : i32
    %dma_start3A_117 = tpu.memref_slice %arg2[%dma_start3A_115, %dma_start3A_116] : memref<10112x16xf32, #tpu.memory_space<hbm>> -> memref<10112x16xf32, #tpu.memory_space<hbm>>
    tpu.enqueue_indirect_dma source(%dma_start3A_117 : memref<10112x16xf32, #tpu.memory_space<hbm>>) target(%dma_start3A_112 : memref<128x16xf32, #tpu.memory_space<vmem>>) offsets(%dma_start3A_114 : memref<128xi32, #tpu.memory_space<vmem>>) semaphore(%arg10 : memref<!tpu.dma_semaphore, #tpu.memory_space<semaphore_mem>>)
    %dma_start3A_118 = arith.constant 11 : i32
    %dma_start3A_119 = arith.constant 0 : i32
    %dma_start3A_120 = arith.constant 0 : i32
    %dma_start3A_121 = tpu.memref_slice %arg8[%dma_start3A_118, %dma_start3A_119, %dma_start3A_120] : memref<32x128x16xf32, #tpu.memory_space<vmem>> -> memref<1x128x16xf32, #tpu.memory_space<vmem>>
    %dma_start3A_122 = tpu.memref_squeeze %dma_start3A_121 : memref<1x128x16xf32, #tpu.memory_space<vmem>> -> memref<128x16xf32, #tpu.memory_space<vmem>>
    %dma_start3A_123 = arith.constant 1408 : i32
    %dma_start3A_124 = tpu.memref_slice %arg6[%dma_start3A_123] : memref<10000xi32, #tpu.memory_space<vmem>> -> memref<128xi32, #tpu.memory_space<vmem>>
    %dma_start3A_125 = arith.constant 0 : i32
    %dma_start3A_126 = arith.constant 0 : i32
    %dma_start3A_127 = tpu.memref_slice %arg2[%dma_start3A_125, %dma_start3A_126] : memref<10112x16xf32, #tpu.memory_space<hbm>> -> memref<10112x16xf32, #tpu.memory_space<hbm>>
    tpu.enqueue_indirect_dma source(%dma_start3A_127 : memref<10112x16xf32, #tpu.memory_space<hbm>>) target(%dma_start3A_122 : memref<128x16xf32, #tpu.memory_space<vmem>>) offsets(%dma_start3A_124 : memref<128xi32, #tpu.memory_space<vmem>>) semaphore(%arg10 : memref<!tpu.dma_semaphore, #tpu.memory_space<semaphore_mem>>)
    %dma_start3A_128 = arith.constant 12 : i32
    %dma_start3A_129 = arith.constant 0 : i32
    %dma_start3A_130 = arith.constant 0 : i32
    %dma_start3A_131 = tpu.memref_slice %arg8[%dma_start3A_128, %dma_start3A_129, %dma_start3A_130] : memref<32x128x16xf32, #tpu.memory_space<vmem>> -> memref<1x128x16xf32, #tpu.memory_space<vmem>>
    %dma_start3A_132 = tpu.memref_squeeze %dma_start3A_131 : memref<1x128x16xf32, #tpu.memory_space<vmem>> -> memref<128x16xf32, #tpu.memory_space<vmem>>
    %dma_start3A_133 = arith.constant 1536 : i32
    %dma_start3A_134 = tpu.memref_slice %arg6[%dma_start3A_133] : memref<10000xi32, #tpu.memory_space<vmem>> -> memref<128xi32, #tpu.memory_space<vmem>>
    %dma_start3A_135 = arith.constant 0 : i32
    %dma_start3A_136 = arith.constant 0 : i32
    %dma_start3A_137 = tpu.memref_slice %arg2[%dma_start3A_135, %dma_start3A_136] : memref<10112x16xf32, #tpu.memory_space<hbm>> -> memref<10112x16xf32, #tpu.memory_space<hbm>>
    tpu.enqueue_indirect_dma source(%dma_start3A_137 : memref<10112x16xf32, #tpu.memory_space<hbm>>) target(%dma_start3A_132 : memref<128x16xf32, #tpu.memory_space<vmem>>) offsets(%dma_start3A_134 : memref<128xi32, #tpu.memory_space<vmem>>) semaphore(%arg10 : memref<!tpu.dma_semaphore, #tpu.memory_space<semaphore_mem>>)
    %dma_start3A_138 = arith.constant 13 : i32
    %dma_start3A_139 = arith.constant 0 : i32
    %dma_start3A_140 = arith.constant 0 : i32
    %dma_start3A_141 = tpu.memref_slice %arg8[%dma_start3A_138, %dma_start3A_139, %dma_start3A_140] : memref<32x128x16xf32, #tpu.memory_space<vmem>> -> memref<1x128x16xf32, #tpu.memory_space<vmem>>
    %dma_start3A_142 = tpu.memref_squeeze %dma_start3A_141 : memref<1x128x16xf32, #tpu.memory_space<vmem>> -> memref<128x16xf32, #tpu.memory_space<vmem>>
    %dma_start3A_143 = arith.constant 1664 : i32
    %dma_start3A_144 = tpu.memref_slice %arg6[%dma_start3A_143] : memref<10000xi32, #tpu.memory_space<vmem>> -> memref<128xi32, #tpu.memory_space<vmem>>
    %dma_start3A_145 = arith.constant 0 : i32
    %dma_start3A_146 = arith.constant 0 : i32
    %dma_start3A_147 = tpu.memref_slice %arg2[%dma_start3A_145, %dma_start3A_146] : memref<10112x16xf32, #tpu.memory_space<hbm>> -> memref<10112x16xf32, #tpu.memory_space<hbm>>
    tpu.enqueue_indirect_dma source(%dma_start3A_147 : memref<10112x16xf32, #tpu.memory_space<hbm>>) target(%dma_start3A_142 : memref<128x16xf32, #tpu.memory_space<vmem>>) offsets(%dma_start3A_144 : memref<128xi32, #tpu.memory_space<vmem>>) semaphore(%arg10 : memref<!tpu.dma_semaphore, #tpu.memory_space<semaphore_mem>>)
    %dma_start3A_148 = arith.constant 14 : i32
    %dma_start3A_149 = arith.constant 0 : i32
    %dma_start3A_150 = arith.constant 0 : i32
    %dma_start3A_151 = tpu.memref_slice %arg8[%dma_start3A_148, %dma_start3A_149, %dma_start3A_150] : memref<32x128x16xf32, #tpu.memory_space<vmem>> -> memref<1x128x16xf32, #tpu.memory_space<vmem>>
    %dma_start3A_152 = tpu.memref_squeeze %dma_start3A_151 : memref<1x128x16xf32, #tpu.memory_space<vmem>> -> memref<128x16xf32, #tpu.memory_space<vmem>>
    %dma_start3A_153 = arith.constant 1792 : i32
    %dma_start3A_154 = tpu.memref_slice %arg6[%dma_start3A_153] : memref<10000xi32, #tpu.memory_space<vmem>> -> memref<128xi32, #tpu.memory_space<vmem>>
    %dma_start3A_155 = arith.constant 0 : i32
    %dma_start3A_156 = arith.constant 0 : i32
    %dma_start3A_157 = tpu.memref_slice %arg2[%dma_start3A_155, %dma_start3A_156] : memref<10112x16xf32, #tpu.memory_space<hbm>> -> memref<10112x16xf32, #tpu.memory_space<hbm>>
    tpu.enqueue_indirect_dma source(%dma_start3A_157 : memref<10112x16xf32, #tpu.memory_space<hbm>>) target(%dma_start3A_152 : memref<128x16xf32, #tpu.memory_space<vmem>>) offsets(%dma_start3A_154 : memref<128xi32, #tpu.memory_space<vmem>>) semaphore(%arg10 : memref<!tpu.dma_semaphore, #tpu.memory_space<semaphore_mem>>)
    %dma_start3A_158 = arith.constant 15 : i32
    %dma_start3A_159 = arith.constant 0 : i32
    %dma_start3A_160 = arith.constant 0 : i32
    %dma_start3A_161 = tpu.memref_slice %arg8[%dma_start3A_158, %dma_start3A_159, %dma_start3A_160] : memref<32x128x16xf32, #tpu.memory_space<vmem>> -> memref<1x128x16xf32, #tpu.memory_space<vmem>>
    %dma_start3A_162 = tpu.memref_squeeze %dma_start3A_161 : memref<1x128x16xf32, #tpu.memory_space<vmem>> -> memref<128x16xf32, #tpu.memory_space<vmem>>
    %dma_start3A_163 = arith.constant 1920 : i32
    %dma_start3A_164 = tpu.memref_slice %arg6[%dma_start3A_163] : memref<10000xi32, #tpu.memory_space<vmem>> -> memref<128xi32, #tpu.memory_space<vmem>>
    %dma_start3A_165 = arith.constant 0 : i32
    %dma_start3A_166 = arith.constant 0 : i32
    %dma_start3A_167 = tpu.memref_slice %arg2[%dma_start3A_165, %dma_start3A_166] : memref<10112x16xf32, #tpu.memory_space<hbm>> -> memref<10112x16xf32, #tpu.memory_space<hbm>>
    tpu.enqueue_indirect_dma source(%dma_start3A_167 : memref<10112x16xf32, #tpu.memory_space<hbm>>) target(%dma_start3A_162 : memref<128x16xf32, #tpu.memory_space<vmem>>) offsets(%dma_start3A_164 : memref<128xi32, #tpu.memory_space<vmem>>) semaphore(%arg10 : memref<!tpu.dma_semaphore, #tpu.memory_space<semaphore_mem>>)
    %scan3A = arith.constant 0 : i32
    %scan3A_168 = arith.constant 0 : i32
    %scan3A_169 = arith.constant 78 : i32
    %scan3A_170 = arith.addi %scan3A_168, %scan3A_169 : i32
    %scan3A_171 = arith.constant 1 : i32
    %scan3A_172 = scf.for %scan3A_221 = %scan3A_168 to %scan3A_170 step %scan3A_171 iter_args(%scan3A_222 = %scan3A) -> (i32)  : i32 {
      %dma_wait3A_223 = arith.constant 0 : i32
      %dma_wait3A_224 = arith.constant 0 : i32
      %dma_wait3A_225 = arith.constant 0 : i32
      %dma_wait3A_226 = tpu.memref_slice %arg8[%dma_wait3A_223, %dma_wait3A_224, %dma_wait3A_225] : memref<32x128x16xf32, #tpu.memory_space<vmem>> -> memref<1x128x16xf32, #tpu.memory_space<vmem>>
      %dma_wait3A_227 = tpu.memref_squeeze %dma_wait3A_226 : memref<1x128x16xf32, #tpu.memory_space<vmem>> -> memref<128x16xf32, #tpu.memory_space<vmem>>
      %dma_wait3A_228 = arith.constant 0 : i32
      %dma_wait3A_229 = tpu.memref_slice %arg6[%dma_wait3A_228] : memref<10000xi32, #tpu.memory_space<vmem>> -> memref<128xi32, #tpu.memory_space<vmem>>
      %dma_wait3A_230 = arith.constant 0 : i32
      %dma_wait3A_231 = arith.constant 0 : i32
      %dma_wait3A_232 = tpu.memref_slice %arg2[%dma_wait3A_230, %dma_wait3A_231] : memref<10112x16xf32, #tpu.memory_space<hbm>> -> memref<10112x16xf32, #tpu.memory_space<hbm>>
      tpu.wait_indirect_dma semaphore(%arg10 : memref<!tpu.dma_semaphore, #tpu.memory_space<semaphore_mem>>) src(%dma_wait3A_232 : memref<10112x16xf32, #tpu.memory_space<hbm>>) dst(%dma_wait3A_227 : memref<128x16xf32, #tpu.memory_space<vmem>>)
      %ge3A = arith.constant 16 : i32
      %ge3A_233 = arith.cmpi sge, %scan3A_221, %ge3A : i32
      %convert_element_type3A = arith.extui %ge3A_233 : i1 to i32
      %cond3A = arith.constant 0 : i32
      %cond3A_234 = arith.cmpi ne, %convert_element_type3A, %cond3A : i32
      scf.if %cond3A_234 {
        %dma_wait3A_254 = arith.constant 0 : i32
        %dma_wait3A_255 = arith.constant 0 : i32
        %dma_wait3A_256 = arith.constant 0 : i32
        %dma_wait3A_257 = tpu.memref_slice %arg8[%dma_wait3A_254, %dma_wait3A_255, %dma_wait3A_256] : memref<32x128x16xf32, #tpu.memory_space<vmem>> -> memref<1x128x16xf32, #tpu.memory_space<vmem>>
        %dma_wait3A_258 = tpu.memref_squeeze %dma_wait3A_257 : memref<1x128x16xf32, #tpu.memory_space<vmem>> -> memref<128x16xf32, #tpu.memory_space<vmem>>
        %dma_wait3A_259 = arith.constant 0 : i32
        %dma_wait3A_260 = tpu.memref_slice %arg7[%dma_wait3A_259] : memref<10000xi32, #tpu.memory_space<vmem>> -> memref<128xi32, #tpu.memory_space<vmem>>
        %dma_wait3A_261 = arith.constant 0 : i32
        %dma_wait3A_262 = arith.constant 0 : i32
        %dma_wait3A_263 = tpu.memref_slice %arg9[%dma_wait3A_261, %dma_wait3A_262] : memref<10112x16xf32, #tpu.memory_space<vmem_shared>> -> memref<10112x16xf32, #tpu.memory_space<vmem_shared>>
        tpu.wait_indirect_dma semaphore(%arg11 : memref<!tpu.dma_semaphore, #tpu.memory_space<semaphore_mem>>) src(%dma_wait3A_258 : memref<128x16xf32, #tpu.memory_space<vmem>>) dst(%dma_wait3A_263 : memref<10112x16xf32, #tpu.memory_space<vmem_shared>>)
      } else {
      }
      %add3A_235 = arith.constant 32 : i32
      %add3A_236 = arith.addi %scan3A_221, %add3A_235 : i32
      %sub3A = arith.constant 16 : i32
      %sub3A_237 = arith.subi %add3A_236, %sub3A : i32
      %lt3A = arith.constant 78 : i32
      %lt3A_238 = arith.cmpi slt, %sub3A_237, %lt3A : i32
      %convert_element_type3A_239 = arith.extui %lt3A_238 : i1 to i32
      %cond3A_240 = arith.constant 0 : i32
      %cond3A_241 = arith.cmpi ne, %convert_element_type3A_239, %cond3A_240 : i32
      scf.if %cond3A_241 {
        %rem3A_254 = arith.constant 32 : i32
        %rem3A_255 = arith.remsi %sub3A_237, %rem3A_254 : i32
        %mul3A_256 = arith.constant 128 : i32
        %mul3A_257 = arith.muli %sub3A_237, %mul3A_256 : i32
        %dma_start3A_258 = arith.constant 0 : i32
        %dma_start3A_259 = arith.constant 0 : i32
        %dma_start3A_260 = tpu.memref_slice %arg8[%rem3A_255, %dma_start3A_258, %dma_start3A_259] : memref<32x128x16xf32, #tpu.memory_space<vmem>> -> memref<1x128x16xf32, #tpu.memory_space<vmem>>
        %dma_start3A_261 = tpu.memref_squeeze %dma_start3A_260 : memref<1x128x16xf32, #tpu.memory_space<vmem>> -> memref<128x16xf32, #tpu.memory_space<vmem>>
        %dma_start3A_262 = tpu.memref_slice %arg6[%mul3A_257] : memref<10000xi32, #tpu.memory_space<vmem>> -> memref<128xi32, #tpu.memory_space<vmem>>
        %dma_start3A_263 = arith.constant 0 : i32
        %dma_start3A_264 = arith.constant 0 : i32
        %dma_start3A_265 = tpu.memref_slice %arg2[%dma_start3A_263, %dma_start3A_264] : memref<10112x16xf32, #tpu.memory_space<hbm>> -> memref<10112x16xf32, #tpu.memory_space<hbm>>
        tpu.enqueue_indirect_dma source(%dma_start3A_265 : memref<10112x16xf32, #tpu.memory_space<hbm>>) target(%dma_start3A_261 : memref<128x16xf32, #tpu.memory_space<vmem>>) offsets(%dma_start3A_262 : memref<128xi32, #tpu.memory_space<vmem>>) semaphore(%arg10 : memref<!tpu.dma_semaphore, #tpu.memory_space<semaphore_mem>>)
      } else {
      }
      %rem3A = arith.constant 32 : i32
      %rem3A_242 = arith.remsi %scan3A_221, %rem3A : i32
      %mul3A_243 = arith.constant 128 : i32
      %mul3A_244 = arith.muli %scan3A_221, %mul3A_243 : i32
      %dma_start3A_245 = arith.constant 0 : i32
      %dma_start3A_246 = arith.constant 0 : i32
      %dma_start3A_247 = tpu.memref_slice %arg8[%rem3A_242, %dma_start3A_245, %dma_start3A_246] : memref<32x128x16xf32, #tpu.memory_space<vmem>> -> memref<1x128x16xf32, #tpu.memory_space<vmem>>
      %dma_start3A_248 = tpu.memref_squeeze %dma_start3A_247 : memref<1x128x16xf32, #tpu.memory_space<vmem>> -> memref<128x16xf32, #tpu.memory_space<vmem>>
      %dma_start3A_249 = tpu.memref_slice %arg7[%mul3A_244] : memref<10000xi32, #tpu.memory_space<vmem>> -> memref<128xi32, #tpu.memory_space<vmem>>
      %dma_start3A_250 = arith.constant 0 : i32
      %dma_start3A_251 = arith.constant 0 : i32
      %dma_start3A_252 = tpu.memref_slice %arg9[%dma_start3A_250, %dma_start3A_251] : memref<10112x16xf32, #tpu.memory_space<vmem_shared>> -> memref<10112x16xf32, #tpu.memory_space<vmem_shared>>
      tpu.enqueue_indirect_dma source(%dma_start3A_248 : memref<128x16xf32, #tpu.memory_space<vmem>>) target(%dma_start3A_252 : memref<10112x16xf32, #tpu.memory_space<vmem_shared>>) offsets(%dma_start3A_249 : memref<128xi32, #tpu.memory_space<vmem>>) semaphore(%arg11 : memref<!tpu.dma_semaphore, #tpu.memory_space<semaphore_mem>>) {add = true}
      %scan3A_253 = arith.constant 0 : i32
      scf.yield %scan3A_253 : i32
    }
    %scan3A_173 = arith.constant 78 : i32
    %scan3A_174 = arith.constant 0 : i32
    %scan3A_175 = arith.constant 0 : i32
    %scan3A_176 = arith.constant 16 : i32
    %scan3A_177 = arith.addi %scan3A_175, %scan3A_176 : i32
    %scan3A_178 = arith.constant 1 : i32
    %scan3A_179 = scf.for %scan3A_221 = %scan3A_175 to %scan3A_177 step %scan3A_178 iter_args(%scan3A_222 = %scan3A_174) -> (i32)  : i32 {
      %dma_wait3A_223 = arith.constant 0 : i32
      %dma_wait3A_224 = arith.constant 0 : i32
      %dma_wait3A_225 = arith.constant 0 : i32
      %dma_wait3A_226 = tpu.memref_slice %arg8[%dma_wait3A_223, %dma_wait3A_224, %dma_wait3A_225] : memref<32x128x16xf32, #tpu.memory_space<vmem>> -> memref<1x128x16xf32, #tpu.memory_space<vmem>>
      %dma_wait3A_227 = tpu.memref_squeeze %dma_wait3A_226 : memref<1x128x16xf32, #tpu.memory_space<vmem>> -> memref<128x16xf32, #tpu.memory_space<vmem>>
      %dma_wait3A_228 = arith.constant 0 : i32
      %dma_wait3A_229 = tpu.memref_slice %arg7[%dma_wait3A_228] : memref<10000xi32, #tpu.memory_space<vmem>> -> memref<128xi32, #tpu.memory_space<vmem>>
      %dma_wait3A_230 = arith.constant 0 : i32
      %dma_wait3A_231 = arith.constant 0 : i32
      %dma_wait3A_232 = tpu.memref_slice %arg9[%dma_wait3A_230, %dma_wait3A_231] : memref<10112x16xf32, #tpu.memory_space<vmem_shared>> -> memref<10112x16xf32, #tpu.memory_space<vmem_shared>>
      tpu.wait_indirect_dma semaphore(%arg11 : memref<!tpu.dma_semaphore, #tpu.memory_space<semaphore_mem>>) src(%dma_wait3A_227 : memref<128x16xf32, #tpu.memory_space<vmem>>) dst(%dma_wait3A_232 : memref<10112x16xf32, #tpu.memory_space<vmem_shared>>)
      %scan3A_233 = arith.constant 0 : i32
      scf.yield %scan3A_233 : i32
    }
    %scan3A_180 = arith.constant 16 : i32
    %dma_start3A_181 = arith.constant 0 : i32
    %dma_start3A_182 = arith.constant 0 : i32
    %dma_start3A_183 = arith.constant 0 : i32
    %dma_start3A_184 = tpu.memref_slice %arg8[%dma_start3A_181, %dma_start3A_182, %dma_start3A_183] : memref<32x128x16xf32, #tpu.memory_space<vmem>> -> memref<1x16x16xf32, #tpu.memory_space<vmem>>
    %dma_start3A_185 = tpu.memref_squeeze %dma_start3A_184 : memref<1x16x16xf32, #tpu.memory_space<vmem>> -> memref<16x16xf32, #tpu.memory_space<vmem>>
    %dma_start3A_186 = arith.constant 9984 : i32
    %dma_start3A_187 = tpu.memref_slice %arg6[%dma_start3A_186] : memref<10000xi32, #tpu.memory_space<vmem>> -> memref<16xi32, #tpu.memory_space<vmem>>
    %dma_start3A_188 = arith.constant 0 : i32
    %dma_start3A_189 = arith.constant 0 : i32
    %dma_start3A_190 = tpu.memref_slice %arg2[%dma_start3A_188, %dma_start3A_189] : memref<10112x16xf32, #tpu.memory_space<hbm>> -> memref<10112x16xf32, #tpu.memory_space<hbm>>
    tpu.enqueue_indirect_dma source(%dma_start3A_190 : memref<10112x16xf32, #tpu.memory_space<hbm>>) target(%dma_start3A_185 : memref<16x16xf32, #tpu.memory_space<vmem>>) offsets(%dma_start3A_187 : memref<16xi32, #tpu.memory_space<vmem>>) semaphore(%arg10 : memref<!tpu.dma_semaphore, #tpu.memory_space<semaphore_mem>>)
    %dma_wait3A = arith.constant 0 : i32
    %dma_wait3A_191 = arith.constant 0 : i32
    %dma_wait3A_192 = arith.constant 0 : i32
    %dma_wait3A_193 = tpu.memref_slice %arg8[%dma_wait3A, %dma_wait3A_191, %dma_wait3A_192] : memref<32x128x16xf32, #tpu.memory_space<vmem>> -> memref<1x16x16xf32, #tpu.memory_space<vmem>>
    %dma_wait3A_194 = tpu.memref_squeeze %dma_wait3A_193 : memref<1x16x16xf32, #tpu.memory_space<vmem>> -> memref<16x16xf32, #tpu.memory_space<vmem>>
    %dma_wait3A_195 = arith.constant 9984 : i32
    %dma_wait3A_196 = tpu.memref_slice %arg6[%dma_wait3A_195] : memref<10000xi32, #tpu.memory_space<vmem>> -> memref<16xi32, #tpu.memory_space<vmem>>
    %dma_wait3A_197 = arith.constant 0 : i32
    %dma_wait3A_198 = arith.constant 0 : i32
    %dma_wait3A_199 = tpu.memref_slice %arg2[%dma_wait3A_197, %dma_wait3A_198] : memref<10112x16xf32, #tpu.memory_space<hbm>> -> memref<10112x16xf32, #tpu.memory_space<hbm>>
    tpu.wait_indirect_dma semaphore(%arg10 : memref<!tpu.dma_semaphore, #tpu.memory_space<semaphore_mem>>) src(%dma_wait3A_199 : memref<10112x16xf32, #tpu.memory_space<hbm>>) dst(%dma_wait3A_194 : memref<16x16xf32, #tpu.memory_space<vmem>>)
    %dma_start3A_200 = arith.constant 0 : i32
    %dma_start3A_201 = arith.constant 0 : i32
    %dma_start3A_202 = arith.constant 0 : i32
    %dma_start3A_203 = tpu.memref_slice %arg8[%dma_start3A_200, %dma_start3A_201, %dma_start3A_202] : memref<32x128x16xf32, #tpu.memory_space<vmem>> -> memref<1x16x16xf32, #tpu.memory_space<vmem>>
    %dma_start3A_204 = tpu.memref_squeeze %dma_start3A_203 : memref<1x16x16xf32, #tpu.memory_space<vmem>> -> memref<16x16xf32, #tpu.memory_space<vmem>>
    %dma_start3A_205 = arith.constant 9984 : i32
    %dma_start3A_206 = tpu.memref_slice %arg7[%dma_start3A_205] : memref<10000xi32, #tpu.memory_space<vmem>> -> memref<16xi32, #tpu.memory_space<vmem>>
    %dma_start3A_207 = arith.constant 0 : i32
    %dma_start3A_208 = arith.constant 0 : i32
    %dma_start3A_209 = tpu.memref_slice %arg9[%dma_start3A_207, %dma_start3A_208] : memref<10112x16xf32, #tpu.memory_space<vmem_shared>> -> memref<10112x16xf32, #tpu.memory_space<vmem_shared>>
    tpu.enqueue_indirect_dma source(%dma_start3A_204 : memref<16x16xf32, #tpu.memory_space<vmem>>) target(%dma_start3A_209 : memref<10112x16xf32, #tpu.memory_space<vmem_shared>>) offsets(%dma_start3A_206 : memref<16xi32, #tpu.memory_space<vmem>>) semaphore(%arg11 : memref<!tpu.dma_semaphore, #tpu.memory_space<semaphore_mem>>) {add = true}
    %dma_wait3A_210 = arith.constant 0 : i32
    %dma_wait3A_211 = arith.constant 0 : i32
    %dma_wait3A_212 = arith.constant 0 : i32
    %dma_wait3A_213 = tpu.memref_slice %arg8[%dma_wait3A_210, %dma_wait3A_211, %dma_wait3A_212] : memref<32x128x16xf32, #tpu.memory_space<vmem>> -> memref<1x16x16xf32, #tpu.memory_space<vmem>>
    %dma_wait3A_214 = tpu.memref_squeeze %dma_wait3A_213 : memref<1x16x16xf32, #tpu.memory_space<vmem>> -> memref<16x16xf32, #tpu.memory_space<vmem>>
    %dma_wait3A_215 = arith.constant 0 : i32
    %dma_wait3A_216 = tpu.memref_slice %arg7[%dma_wait3A_215] : memref<10000xi32, #tpu.memory_space<vmem>> -> memref<16xi32, #tpu.memory_space<vmem>>
    %dma_wait3A_217 = arith.constant 0 : i32
    %dma_wait3A_218 = arith.constant 0 : i32
    %dma_wait3A_219 = tpu.memref_slice %arg9[%dma_wait3A_217, %dma_wait3A_218] : memref<10112x16xf32, #tpu.memory_space<vmem_shared>> -> memref<10112x16xf32, #tpu.memory_space<vmem_shared>>
    tpu.wait_indirect_dma semaphore(%arg11 : memref<!tpu.dma_semaphore, #tpu.memory_space<semaphore_mem>>) src(%dma_wait3A_214 : memref<16x16xf32, #tpu.memory_space<vmem>>) dst(%dma_wait3A_219 : memref<10112x16xf32, #tpu.memory_space<vmem_shared>>)
    %barrier3A_220 = arith.constant 0 : index
    tpu.barrier barrier_id(%barrier3A_220)
    "tpu.region"() ({
      %run_scoped3A = tpu.sem_alloc : memref<!tpu.dma_semaphore, #tpu.memory_space<semaphore_mem>>
      %dma_start3A_221 = arith.constant 0 : i32
      %dma_start3A_222 = tpu.memref_slice %arg5[%arg0, %mul3A_2, %dma_start3A_221] : memref<2x10112x16xf32, #tpu.memory_space<hbm>> -> memref<1x632x16xf32, #tpu.memory_space<hbm>>
      %dma_start3A_223 = tpu.memref_squeeze %dma_start3A_222 : memref<1x632x16xf32, #tpu.memory_space<hbm>> -> memref<632x16xf32, #tpu.memory_space<hbm>>
      %dma_start3A_224 = arith.constant 0 : i32
      %dma_start3A_225 = tpu.memref_slice %arg9[%mul3A_2, %dma_start3A_224] : memref<10112x16xf32, #tpu.memory_space<vmem_shared>> -> memref<632x16xf32, #tpu.memory_space<vmem_shared>>
      tpu.enqueue_dma source(%dma_start3A_225 : memref<632x16xf32, #tpu.memory_space<vmem_shared>>) target(%dma_start3A_223 : memref<632x16xf32, #tpu.memory_space<hbm>>) target_semaphore(%run_scoped3A : memref<!tpu.dma_semaphore, #tpu.memory_space<semaphore_mem>>)
      %dma_wait3A_226 = arith.constant 0 : i32
      %dma_wait3A_227 = tpu.memref_slice %arg5[%arg0, %mul3A_2, %dma_wait3A_226] : memref<2x10112x16xf32, #tpu.memory_space<hbm>> -> memref<1x632x16xf32, #tpu.memory_space<hbm>>
      %dma_wait3A_228 = tpu.memref_squeeze %dma_wait3A_227 : memref<1x632x16xf32, #tpu.memory_space<hbm>> -> memref<632x16xf32, #tpu.memory_space<hbm>>
      %dma_wait3A_229 = arith.constant 0 : i32
      %dma_wait3A_230 = tpu.memref_slice %arg9[%mul3A_2, %dma_wait3A_229] : memref<10112x16xf32, #tpu.memory_space<vmem_shared>> -> memref<632x16xf32, #tpu.memory_space<vmem_shared>>
      tpu.wait_dma2 semaphore(%run_scoped3A : memref<!tpu.dma_semaphore, #tpu.memory_space<semaphore_mem>>) src(%dma_wait3A_230 : memref<632x16xf32, #tpu.memory_space<vmem_shared>>) dst(%dma_wait3A_228 : memref<632x16xf32, #tpu.memory_space<hbm>>)
      tpu.yield
    }) : () -> ()
    return
  }
}

#map = affine_map<(d0, d1) -> (0)>
#map1 = affine_map<(d0, d1) -> (0, 0)>
#map2 = affine_map<(d0, d1) -> (0, 0, 0)>
module attributes {stable_mosaic.version = 14 : i64} {
  func.func @_deg(%arg0: i32, %arg1: i32, %arg2: memref<640000xi32, #tpu.memory_space<hbm>>, %arg3: memref<128x16xf32, #tpu.memory_space<hbm>>, %arg4: memref<632x16xf32, #tpu.memory_space<hbm>>, %arg5: memref<2x10112x16xf32, #tpu.memory_space<hbm>>, %arg6: memref<10000xi32, #tpu.memory_space<vmem>>, %arg7: memref<128x16xf32, #tpu.memory_space<vmem>>, %arg8: memref<10112x16xf32, #tpu.memory_space<vmem_shared>>, %arg9: memref<!tpu.dma_semaphore, #tpu.memory_space<semaphore_mem>>) attributes {dimension_semantics = [#tpu.dimension_semantics<core_parallel>, #tpu.dimension_semantics<subcore_parallel>], iteration_bounds = array<i64: 2, 16>, scalar_prefetch = 0 : i64, scratch_operands = 4 : i64, tpu.core_type = #tpu.core_type<sc_vector_subcore>, window_params = [{transform_indices = #map}, {transform_indices = #map1}, {transform_indices = #map1}, {transform_indices = #map2}]} {
    %mul3A = arith.constant 2 : i32
    %mul3A_0 = arith.muli %arg1, %mul3A : i32
    %add3A = arith.addi %mul3A_0, %arg0 : i32
    %mul3A_1 = arith.constant 632 : i32
    %mul3A_2 = arith.muli %arg1, %mul3A_1 : i32
    "tpu.region"() ({
      %run_scoped3A = tpu.sem_alloc : memref<!tpu.dma_semaphore, #tpu.memory_space<semaphore_mem>>
      %dma_start3A_33 = arith.constant 0 : i32
      %dma_start3A_34 = tpu.memref_slice %arg8[%mul3A_2, %dma_start3A_33] : memref<10112x16xf32, #tpu.memory_space<vmem_shared>> -> memref<632x16xf32, #tpu.memory_space<vmem_shared>>
      tpu.enqueue_dma source(%arg4 : memref<632x16xf32, #tpu.memory_space<hbm>>) target(%dma_start3A_34 : memref<632x16xf32, #tpu.memory_space<vmem_shared>>) target_semaphore(%run_scoped3A : memref<!tpu.dma_semaphore, #tpu.memory_space<semaphore_mem>>)
      %dma_wait3A_35 = arith.constant 0 : i32
      %dma_wait3A_36 = tpu.memref_slice %arg8[%mul3A_2, %dma_wait3A_35] : memref<10112x16xf32, #tpu.memory_space<vmem_shared>> -> memref<632x16xf32, #tpu.memory_space<vmem_shared>>
      tpu.wait_dma2 semaphore(%run_scoped3A : memref<!tpu.dma_semaphore, #tpu.memory_space<semaphore_mem>>) src(%arg4 : memref<632x16xf32, #tpu.memory_space<hbm>>) dst(%dma_wait3A_36 : memref<632x16xf32, #tpu.memory_space<vmem_shared>>)
      tpu.yield
    }) : () -> ()
    %mul3A_3 = arith.constant 10000 : i32
    %mul3A_4 = arith.muli %add3A, %mul3A_3 : i32
    "tpu.region"() ({
      %run_scoped3A = tpu.sem_alloc : memref<!tpu.dma_semaphore, #tpu.memory_space<semaphore_mem>>
      %dma_start3A_33 = tpu.memref_slice %arg2[%mul3A_4] : memref<640000xi32, #tpu.memory_space<hbm>> -> memref<10000xi32, #tpu.memory_space<hbm>>
      %dma_start3A_34 = tpu.memref_slice %arg2[%mul3A_4] : memref<640000xi32, #tpu.memory_space<hbm>> -> memref<10000xi32, #tpu.memory_space<hbm>>
      tpu.enqueue_dma source(%dma_start3A_34 : memref<10000xi32, #tpu.memory_space<hbm>>) target(%arg6 : memref<10000xi32, #tpu.memory_space<vmem>>) target_semaphore(%run_scoped3A : memref<!tpu.dma_semaphore, #tpu.memory_space<semaphore_mem>>)
      %dma_wait3A_35 = tpu.memref_slice %arg2[%mul3A_4] : memref<640000xi32, #tpu.memory_space<hbm>> -> memref<10000xi32, #tpu.memory_space<hbm>>
      %dma_wait3A_36 = tpu.memref_slice %arg2[%mul3A_4] : memref<640000xi32, #tpu.memory_space<hbm>> -> memref<10000xi32, #tpu.memory_space<hbm>>
      tpu.wait_dma2 semaphore(%run_scoped3A : memref<!tpu.dma_semaphore, #tpu.memory_space<semaphore_mem>>) src(%dma_wait3A_36 : memref<10000xi32, #tpu.memory_space<hbm>>) dst(%arg6 : memref<10000xi32, #tpu.memory_space<vmem>>)
      tpu.yield
    }) : () -> ()
    "tpu.region"() ({
      %run_scoped3A = tpu.sem_alloc : memref<!tpu.dma_semaphore, #tpu.memory_space<semaphore_mem>>
      tpu.enqueue_dma source(%arg3 : memref<128x16xf32, #tpu.memory_space<hbm>>) target(%arg7 : memref<128x16xf32, #tpu.memory_space<vmem>>) target_semaphore(%run_scoped3A : memref<!tpu.dma_semaphore, #tpu.memory_space<semaphore_mem>>)
      tpu.wait_dma2 semaphore(%run_scoped3A : memref<!tpu.dma_semaphore, #tpu.memory_space<semaphore_mem>>) src(%arg3 : memref<128x16xf32, #tpu.memory_space<hbm>>) dst(%arg7 : memref<128x16xf32, #tpu.memory_space<vmem>>)
      tpu.yield
    }) : () -> ()
    %barrier3A = arith.constant 0 : index
    tpu.barrier barrier_id(%barrier3A)
    %scan3A = arith.constant 0 : i32
    %scan3A_5 = arith.constant 0 : i32
    %scan3A_6 = arith.constant 78 : i32
    %scan3A_7 = arith.addi %scan3A_5, %scan3A_6 : i32
    %scan3A_8 = arith.constant 1 : i32
    %scan3A_9 = scf.for %scan3A_33 = %scan3A_5 to %scan3A_7 step %scan3A_8 iter_args(%scan3A_34 = %scan3A) -> (i32)  : i32 {
      %mul3A_35 = arith.constant 128 : i32
      %mul3A_36 = arith.muli %scan3A_33, %mul3A_35 : i32
      %dma_start3A_37 = tpu.memref_slice %arg6[%mul3A_36] : memref<10000xi32, #tpu.memory_space<vmem>> -> memref<128xi32, #tpu.memory_space<vmem>>
      %dma_start3A_38 = arith.constant 0 : i32
      %dma_start3A_39 = arith.constant 0 : i32
      %dma_start3A_40 = tpu.memref_slice %arg8[%dma_start3A_38, %dma_start3A_39] : memref<10112x16xf32, #tpu.memory_space<vmem_shared>> -> memref<10112x16xf32, #tpu.memory_space<vmem_shared>>
      tpu.enqueue_indirect_dma source(%arg7 : memref<128x16xf32, #tpu.memory_space<vmem>>) target(%dma_start3A_40 : memref<10112x16xf32, #tpu.memory_space<vmem_shared>>) offsets(%dma_start3A_37 : memref<128xi32, #tpu.memory_space<vmem>>) semaphore(%arg9 : memref<!tpu.dma_semaphore, #tpu.memory_space<semaphore_mem>>) {add = true}
      %ge3A = arith.constant 24 : i32
      %ge3A_41 = arith.cmpi sge, %scan3A_33, %ge3A : i32
      %convert_element_type3A = arith.extui %ge3A_41 : i1 to i32
      %cond3A = arith.constant 0 : i32
      %cond3A_42 = arith.cmpi ne, %convert_element_type3A, %cond3A : i32
      scf.if %cond3A_42 {
        %dma_wait3A_44 = arith.constant 0 : i32
        %dma_wait3A_45 = tpu.memref_slice %arg6[%dma_wait3A_44] : memref<10000xi32, #tpu.memory_space<vmem>> -> memref<128xi32, #tpu.memory_space<vmem>>
        %dma_wait3A_46 = arith.constant 0 : i32
        %dma_wait3A_47 = arith.constant 0 : i32
        %dma_wait3A_48 = tpu.memref_slice %arg8[%dma_wait3A_46, %dma_wait3A_47] : memref<10112x16xf32, #tpu.memory_space<vmem_shared>> -> memref<10112x16xf32, #tpu.memory_space<vmem_shared>>
        tpu.wait_indirect_dma semaphore(%arg9 : memref<!tpu.dma_semaphore, #tpu.memory_space<semaphore_mem>>) src(%arg7 : memref<128x16xf32, #tpu.memory_space<vmem>>) dst(%dma_wait3A_48 : memref<10112x16xf32, #tpu.memory_space<vmem_shared>>)
      } else {
      }
      %scan3A_43 = arith.constant 0 : i32
      scf.yield %scan3A_43 : i32
    }
    %scan3A_10 = arith.constant 78 : i32
    %scan3A_11 = arith.constant 0 : i32
    %scan3A_12 = arith.constant 0 : i32
    %scan3A_13 = arith.constant 24 : i32
    %scan3A_14 = arith.addi %scan3A_12, %scan3A_13 : i32
    %scan3A_15 = arith.constant 1 : i32
    %scan3A_16 = scf.for %scan3A_33 = %scan3A_12 to %scan3A_14 step %scan3A_15 iter_args(%scan3A_34 = %scan3A_11) -> (i32)  : i32 {
      %dma_wait3A_35 = arith.constant 0 : i32
      %dma_wait3A_36 = tpu.memref_slice %arg6[%dma_wait3A_35] : memref<10000xi32, #tpu.memory_space<vmem>> -> memref<128xi32, #tpu.memory_space<vmem>>
      %dma_wait3A_37 = arith.constant 0 : i32
      %dma_wait3A_38 = arith.constant 0 : i32
      %dma_wait3A_39 = tpu.memref_slice %arg8[%dma_wait3A_37, %dma_wait3A_38] : memref<10112x16xf32, #tpu.memory_space<vmem_shared>> -> memref<10112x16xf32, #tpu.memory_space<vmem_shared>>
      tpu.wait_indirect_dma semaphore(%arg9 : memref<!tpu.dma_semaphore, #tpu.memory_space<semaphore_mem>>) src(%arg7 : memref<128x16xf32, #tpu.memory_space<vmem>>) dst(%dma_wait3A_39 : memref<10112x16xf32, #tpu.memory_space<vmem_shared>>)
      %scan3A_40 = arith.constant 0 : i32
      scf.yield %scan3A_40 : i32
    }
    %scan3A_17 = arith.constant 24 : i32
    %dma_start3A = arith.constant 0 : i32
    %dma_start3A_18 = arith.constant 0 : i32
    %dma_start3A_19 = tpu.memref_slice %arg7[%dma_start3A, %dma_start3A_18] : memref<128x16xf32, #tpu.memory_space<vmem>> -> memref<16x16xf32, #tpu.memory_space<vmem>>
    %dma_start3A_20 = arith.constant 9984 : i32
    %dma_start3A_21 = tpu.memref_slice %arg6[%dma_start3A_20] : memref<10000xi32, #tpu.memory_space<vmem>> -> memref<16xi32, #tpu.memory_space<vmem>>
    %dma_start3A_22 = arith.constant 0 : i32
    %dma_start3A_23 = arith.constant 0 : i32
    %dma_start3A_24 = tpu.memref_slice %arg8[%dma_start3A_22, %dma_start3A_23] : memref<10112x16xf32, #tpu.memory_space<vmem_shared>> -> memref<10112x16xf32, #tpu.memory_space<vmem_shared>>
    tpu.enqueue_indirect_dma source(%dma_start3A_19 : memref<16x16xf32, #tpu.memory_space<vmem>>) target(%dma_start3A_24 : memref<10112x16xf32, #tpu.memory_space<vmem_shared>>) offsets(%dma_start3A_21 : memref<16xi32, #tpu.memory_space<vmem>>) semaphore(%arg9 : memref<!tpu.dma_semaphore, #tpu.memory_space<semaphore_mem>>) {add = true}
    %dma_wait3A = arith.constant 0 : i32
    %dma_wait3A_25 = arith.constant 0 : i32
    %dma_wait3A_26 = tpu.memref_slice %arg7[%dma_wait3A, %dma_wait3A_25] : memref<128x16xf32, #tpu.memory_space<vmem>> -> memref<16x16xf32, #tpu.memory_space<vmem>>
    %dma_wait3A_27 = arith.constant 0 : i32
    %dma_wait3A_28 = tpu.memref_slice %arg6[%dma_wait3A_27] : memref<10000xi32, #tpu.memory_space<vmem>> -> memref<16xi32, #tpu.memory_space<vmem>>
    %dma_wait3A_29 = arith.constant 0 : i32
    %dma_wait3A_30 = arith.constant 0 : i32
    %dma_wait3A_31 = tpu.memref_slice %arg8[%dma_wait3A_29, %dma_wait3A_30] : memref<10112x16xf32, #tpu.memory_space<vmem_shared>> -> memref<10112x16xf32, #tpu.memory_space<vmem_shared>>
    tpu.wait_indirect_dma semaphore(%arg9 : memref<!tpu.dma_semaphore, #tpu.memory_space<semaphore_mem>>) src(%dma_wait3A_26 : memref<16x16xf32, #tpu.memory_space<vmem>>) dst(%dma_wait3A_31 : memref<10112x16xf32, #tpu.memory_space<vmem_shared>>)
    %barrier3A_32 = arith.constant 0 : index
    tpu.barrier barrier_id(%barrier3A_32)
    "tpu.region"() ({
      %run_scoped3A = tpu.sem_alloc : memref<!tpu.dma_semaphore, #tpu.memory_space<semaphore_mem>>
      %dma_start3A_33 = arith.constant 0 : i32
      %dma_start3A_34 = tpu.memref_slice %arg5[%arg0, %mul3A_2, %dma_start3A_33] : memref<2x10112x16xf32, #tpu.memory_space<hbm>> -> memref<1x632x16xf32, #tpu.memory_space<hbm>>
      %dma_start3A_35 = tpu.memref_squeeze %dma_start3A_34 : memref<1x632x16xf32, #tpu.memory_space<hbm>> -> memref<632x16xf32, #tpu.memory_space<hbm>>
      %dma_start3A_36 = arith.constant 0 : i32
      %dma_start3A_37 = tpu.memref_slice %arg8[%mul3A_2, %dma_start3A_36] : memref<10112x16xf32, #tpu.memory_space<vmem_shared>> -> memref<632x16xf32, #tpu.memory_space<vmem_shared>>
      tpu.enqueue_dma source(%dma_start3A_37 : memref<632x16xf32, #tpu.memory_space<vmem_shared>>) target(%dma_start3A_35 : memref<632x16xf32, #tpu.memory_space<hbm>>) target_semaphore(%run_scoped3A : memref<!tpu.dma_semaphore, #tpu.memory_space<semaphore_mem>>)
      %dma_wait3A_38 = arith.constant 0 : i32
      %dma_wait3A_39 = tpu.memref_slice %arg5[%arg0, %mul3A_2, %dma_wait3A_38] : memref<2x10112x16xf32, #tpu.memory_space<hbm>> -> memref<1x632x16xf32, #tpu.memory_space<hbm>>
      %dma_wait3A_40 = tpu.memref_squeeze %dma_wait3A_39 : memref<1x632x16xf32, #tpu.memory_space<hbm>> -> memref<632x16xf32, #tpu.memory_space<hbm>>
      %dma_wait3A_41 = arith.constant 0 : i32
      %dma_wait3A_42 = tpu.memref_slice %arg8[%mul3A_2, %dma_wait3A_41] : memref<10112x16xf32, #tpu.memory_space<vmem_shared>> -> memref<632x16xf32, #tpu.memory_space<vmem_shared>>
      tpu.wait_dma2 semaphore(%run_scoped3A : memref<!tpu.dma_semaphore, #tpu.memory_space<semaphore_mem>>) src(%dma_wait3A_42 : memref<632x16xf32, #tpu.memory_space<vmem_shared>>) dst(%dma_wait3A_40 : memref<632x16xf32, #tpu.memory_space<hbm>>)
      tpu.yield
    }) : () -> ()
    return
  }
}

#map = affine_map<(d0, d1) -> (0, 0)>
#map1 = affine_map<(d0, d1) -> (0)>
#map2 = affine_map<(d0, d1) -> (0, 0, 0)>
module attributes {stable_mosaic.version = 14 : i64} {
  func.func @_agg(%arg0: i32, %arg1: i32, %arg2: memref<10112x16xf32, #tpu.memory_space<hbm>>, %arg3: memref<640000xi32, #tpu.memory_space<hbm>>, %arg4: memref<632x16xf32, #tpu.memory_space<hbm>>, %arg5: memref<2x10112x16xf32, #tpu.memory_space<hbm>>, %arg6: memref<10000xi32, #tpu.memory_space<vmem>>, %arg7: memref<10000xi32, #tpu.memory_space<vmem>>, %arg8: memref<32x128x16xf32, #tpu.memory_space<vmem>>, %arg9: memref<10112x16xf32, #tpu.memory_space<vmem_shared>>, %arg10: memref<!tpu.dma_semaphore, #tpu.memory_space<semaphore_mem>>, %arg11: memref<!tpu.dma_semaphore, #tpu.memory_space<semaphore_mem>>) attributes {dimension_semantics = [#tpu.dimension_semantics<core_parallel>, #tpu.dimension_semantics<subcore_parallel>], iteration_bounds = array<i64: 2, 16>, scalar_prefetch = 0 : i64, scratch_operands = 6 : i64, tpu.core_type = #tpu.core_type<sc_vector_subcore>, window_params = [{transform_indices = #map}, {transform_indices = #map1}, {transform_indices = #map}, {transform_indices = #map2}]} {
    %mul3A = arith.constant 2 : i32
    %mul3A_0 = arith.muli %arg1, %mul3A : i32
    %add3A = arith.addi %mul3A_0, %arg0 : i32
    %mul3A_1 = arith.constant 632 : i32
    %mul3A_2 = arith.muli %arg1, %mul3A_1 : i32
    "tpu.region"() ({
      %run_scoped3A = tpu.sem_alloc : memref<!tpu.dma_semaphore, #tpu.memory_space<semaphore_mem>>
      %dma_start3A_221 = arith.constant 0 : i32
      %dma_start3A_222 = tpu.memref_slice %arg9[%mul3A_2, %dma_start3A_221] : memref<10112x16xf32, #tpu.memory_space<vmem_shared>> -> memref<632x16xf32, #tpu.memory_space<vmem_shared>>
      tpu.enqueue_dma source(%arg4 : memref<632x16xf32, #tpu.memory_space<hbm>>) target(%dma_start3A_222 : memref<632x16xf32, #tpu.memory_space<vmem_shared>>) target_semaphore(%run_scoped3A : memref<!tpu.dma_semaphore, #tpu.memory_space<semaphore_mem>>)
      %dma_wait3A_223 = arith.constant 0 : i32
      %dma_wait3A_224 = tpu.memref_slice %arg9[%mul3A_2, %dma_wait3A_223] : memref<10112x16xf32, #tpu.memory_space<vmem_shared>> -> memref<632x16xf32, #tpu.memory_space<vmem_shared>>
      tpu.wait_dma2 semaphore(%run_scoped3A : memref<!tpu.dma_semaphore, #tpu.memory_space<semaphore_mem>>) src(%arg4 : memref<632x16xf32, #tpu.memory_space<hbm>>) dst(%dma_wait3A_224 : memref<632x16xf32, #tpu.memory_space<vmem_shared>>)
      tpu.yield
    }) : () -> ()
    %mul3A_3 = arith.constant 10000 : i32
    %mul3A_4 = arith.muli %add3A, %mul3A_3 : i32
    "tpu.region"() ({
      %run_scoped3A = tpu.sem_alloc : memref<!tpu.dma_semaphore, #tpu.memory_space<semaphore_mem>>
      %dma_start3A_221 = tpu.memref_slice %arg3[%mul3A_4] : memref<640000xi32, #tpu.memory_space<hbm>> -> memref<10000xi32, #tpu.memory_space<hbm>>
      %dma_start3A_222 = tpu.memref_slice %arg3[%mul3A_4] : memref<640000xi32, #tpu.memory_space<hbm>> -> memref<10000xi32, #tpu.memory_space<hbm>>
      tpu.enqueue_dma source(%dma_start3A_222 : memref<10000xi32, #tpu.memory_space<hbm>>) target(%arg6 : memref<10000xi32, #tpu.memory_space<vmem>>) target_semaphore(%run_scoped3A : memref<!tpu.dma_semaphore, #tpu.memory_space<semaphore_mem>>)
      %dma_wait3A_223 = tpu.memref_slice %arg3[%mul3A_4] : memref<640000xi32, #tpu.memory_space<hbm>> -> memref<10000xi32, #tpu.memory_space<hbm>>
      %dma_wait3A_224 = tpu.memref_slice %arg3[%mul3A_4] : memref<640000xi32, #tpu.memory_space<hbm>> -> memref<10000xi32, #tpu.memory_space<hbm>>
      tpu.wait_dma2 semaphore(%run_scoped3A : memref<!tpu.dma_semaphore, #tpu.memory_space<semaphore_mem>>) src(%dma_wait3A_224 : memref<10000xi32, #tpu.memory_space<hbm>>) dst(%arg6 : memref<10000xi32, #tpu.memory_space<vmem>>)
      tpu.yield
    }) : () -> ()
    %mul3A_5 = arith.constant 10000 : i32
    %mul3A_6 = arith.muli %add3A, %mul3A_5 : i32
    %add3A_7 = arith.constant 320000 : i32
    %add3A_8 = arith.addi %add3A_7, %mul3A_6 : i32
    "tpu.region"() ({
      %run_scoped3A = tpu.sem_alloc : memref<!tpu.dma_semaphore, #tpu.memory_space<semaphore_mem>>
      %dma_start3A_221 = tpu.memref_slice %arg3[%add3A_8] : memref<640000xi32, #tpu.memory_space<hbm>> -> memref<10000xi32, #tpu.memory_space<hbm>>
      %dma_start3A_222 = tpu.memref_slice %arg3[%add3A_8] : memref<640000xi32, #tpu.memory_space<hbm>> -> memref<10000xi32, #tpu.memory_space<hbm>>
      tpu.enqueue_dma source(%dma_start3A_222 : memref<10000xi32, #tpu.memory_space<hbm>>) target(%arg7 : memref<10000xi32, #tpu.memory_space<vmem>>) target_semaphore(%run_scoped3A : memref<!tpu.dma_semaphore, #tpu.memory_space<semaphore_mem>>)
      %dma_wait3A_223 = tpu.memref_slice %arg3[%add3A_8] : memref<640000xi32, #tpu.memory_space<hbm>> -> memref<10000xi32, #tpu.memory_space<hbm>>
      %dma_wait3A_224 = tpu.memref_slice %arg3[%add3A_8] : memref<640000xi32, #tpu.memory_space<hbm>> -> memref<10000xi32, #tpu.memory_space<hbm>>
      tpu.wait_dma2 semaphore(%run_scoped3A : memref<!tpu.dma_semaphore, #tpu.memory_space<semaphore_mem>>) src(%dma_wait3A_224 : memref<10000xi32, #tpu.memory_space<hbm>>) dst(%arg7 : memref<10000xi32, #tpu.memory_space<vmem>>)
      tpu.yield
    }) : () -> ()
    %barrier3A = arith.constant 0 : index
    tpu.barrier barrier_id(%barrier3A)
    %dma_start3A = arith.constant 0 : i32
    %dma_start3A_9 = arith.constant 0 : i32
    %dma_start3A_10 = arith.constant 0 : i32
    %dma_start3A_11 = tpu.memref_slice %arg8[%dma_start3A, %dma_start3A_9, %dma_start3A_10] : memref<32x128x16xf32, #tpu.memory_space<vmem>> -> memref<1x128x16xf32, #tpu.memory_space<vmem>>
    %dma_start3A_12 = tpu.memref_squeeze %dma_start3A_11 : memref<1x128x16xf32, #tpu.memory_space<vmem>> -> memref<128x16xf32, #tpu.memory_space<vmem>>
    %dma_start3A_13 = arith.constant 0 : i32
    %dma_start3A_14 = tpu.memref_slice %arg6[%dma_start3A_13] : memref<10000xi32, #tpu.memory_space<vmem>> -> memref<128xi32, #tpu.memory_space<vmem>>
    %dma_start3A_15 = arith.constant 0 : i32
    %dma_start3A_16 = arith.constant 0 : i32
    %dma_start3A_17 = tpu.memref_slice %arg2[%dma_start3A_15, %dma_start3A_16] : memref<10112x16xf32, #tpu.memory_space<hbm>> -> memref<10112x16xf32, #tpu.memory_space<hbm>>
    tpu.enqueue_indirect_dma source(%dma_start3A_17 : memref<10112x16xf32, #tpu.memory_space<hbm>>) target(%dma_start3A_12 : memref<128x16xf32, #tpu.memory_space<vmem>>) offsets(%dma_start3A_14 : memref<128xi32, #tpu.memory_space<vmem>>) semaphore(%arg10 : memref<!tpu.dma_semaphore, #tpu.memory_space<semaphore_mem>>)
    %dma_start3A_18 = arith.constant 1 : i32
    %dma_start3A_19 = arith.constant 0 : i32
    %dma_start3A_20 = arith.constant 0 : i32
    %dma_start3A_21 = tpu.memref_slice %arg8[%dma_start3A_18, %dma_start3A_19, %dma_start3A_20] : memref<32x128x16xf32, #tpu.memory_space<vmem>> -> memref<1x128x16xf32, #tpu.memory_space<vmem>>
    %dma_start3A_22 = tpu.memref_squeeze %dma_start3A_21 : memref<1x128x16xf32, #tpu.memory_space<vmem>> -> memref<128x16xf32, #tpu.memory_space<vmem>>
    %dma_start3A_23 = arith.constant 128 : i32
    %dma_start3A_24 = tpu.memref_slice %arg6[%dma_start3A_23] : memref<10000xi32, #tpu.memory_space<vmem>> -> memref<128xi32, #tpu.memory_space<vmem>>
    %dma_start3A_25 = arith.constant 0 : i32
    %dma_start3A_26 = arith.constant 0 : i32
    %dma_start3A_27 = tpu.memref_slice %arg2[%dma_start3A_25, %dma_start3A_26] : memref<10112x16xf32, #tpu.memory_space<hbm>> -> memref<10112x16xf32, #tpu.memory_space<hbm>>
    tpu.enqueue_indirect_dma source(%dma_start3A_27 : memref<10112x16xf32, #tpu.memory_space<hbm>>) target(%dma_start3A_22 : memref<128x16xf32, #tpu.memory_space<vmem>>) offsets(%dma_start3A_24 : memref<128xi32, #tpu.memory_space<vmem>>) semaphore(%arg10 : memref<!tpu.dma_semaphore, #tpu.memory_space<semaphore_mem>>)
    %dma_start3A_28 = arith.constant 2 : i32
    %dma_start3A_29 = arith.constant 0 : i32
    %dma_start3A_30 = arith.constant 0 : i32
    %dma_start3A_31 = tpu.memref_slice %arg8[%dma_start3A_28, %dma_start3A_29, %dma_start3A_30] : memref<32x128x16xf32, #tpu.memory_space<vmem>> -> memref<1x128x16xf32, #tpu.memory_space<vmem>>
    %dma_start3A_32 = tpu.memref_squeeze %dma_start3A_31 : memref<1x128x16xf32, #tpu.memory_space<vmem>> -> memref<128x16xf32, #tpu.memory_space<vmem>>
    %dma_start3A_33 = arith.constant 256 : i32
    %dma_start3A_34 = tpu.memref_slice %arg6[%dma_start3A_33] : memref<10000xi32, #tpu.memory_space<vmem>> -> memref<128xi32, #tpu.memory_space<vmem>>
    %dma_start3A_35 = arith.constant 0 : i32
    %dma_start3A_36 = arith.constant 0 : i32
    %dma_start3A_37 = tpu.memref_slice %arg2[%dma_start3A_35, %dma_start3A_36] : memref<10112x16xf32, #tpu.memory_space<hbm>> -> memref<10112x16xf32, #tpu.memory_space<hbm>>
    tpu.enqueue_indirect_dma source(%dma_start3A_37 : memref<10112x16xf32, #tpu.memory_space<hbm>>) target(%dma_start3A_32 : memref<128x16xf32, #tpu.memory_space<vmem>>) offsets(%dma_start3A_34 : memref<128xi32, #tpu.memory_space<vmem>>) semaphore(%arg10 : memref<!tpu.dma_semaphore, #tpu.memory_space<semaphore_mem>>)
    %dma_start3A_38 = arith.constant 3 : i32
    %dma_start3A_39 = arith.constant 0 : i32
    %dma_start3A_40 = arith.constant 0 : i32
    %dma_start3A_41 = tpu.memref_slice %arg8[%dma_start3A_38, %dma_start3A_39, %dma_start3A_40] : memref<32x128x16xf32, #tpu.memory_space<vmem>> -> memref<1x128x16xf32, #tpu.memory_space<vmem>>
    %dma_start3A_42 = tpu.memref_squeeze %dma_start3A_41 : memref<1x128x16xf32, #tpu.memory_space<vmem>> -> memref<128x16xf32, #tpu.memory_space<vmem>>
    %dma_start3A_43 = arith.constant 384 : i32
    %dma_start3A_44 = tpu.memref_slice %arg6[%dma_start3A_43] : memref<10000xi32, #tpu.memory_space<vmem>> -> memref<128xi32, #tpu.memory_space<vmem>>
    %dma_start3A_45 = arith.constant 0 : i32
    %dma_start3A_46 = arith.constant 0 : i32
    %dma_start3A_47 = tpu.memref_slice %arg2[%dma_start3A_45, %dma_start3A_46] : memref<10112x16xf32, #tpu.memory_space<hbm>> -> memref<10112x16xf32, #tpu.memory_space<hbm>>
    tpu.enqueue_indirect_dma source(%dma_start3A_47 : memref<10112x16xf32, #tpu.memory_space<hbm>>) target(%dma_start3A_42 : memref<128x16xf32, #tpu.memory_space<vmem>>) offsets(%dma_start3A_44 : memref<128xi32, #tpu.memory_space<vmem>>) semaphore(%arg10 : memref<!tpu.dma_semaphore, #tpu.memory_space<semaphore_mem>>)
    %dma_start3A_48 = arith.constant 4 : i32
    %dma_start3A_49 = arith.constant 0 : i32
    %dma_start3A_50 = arith.constant 0 : i32
    %dma_start3A_51 = tpu.memref_slice %arg8[%dma_start3A_48, %dma_start3A_49, %dma_start3A_50] : memref<32x128x16xf32, #tpu.memory_space<vmem>> -> memref<1x128x16xf32, #tpu.memory_space<vmem>>
    %dma_start3A_52 = tpu.memref_squeeze %dma_start3A_51 : memref<1x128x16xf32, #tpu.memory_space<vmem>> -> memref<128x16xf32, #tpu.memory_space<vmem>>
    %dma_start3A_53 = arith.constant 512 : i32
    %dma_start3A_54 = tpu.memref_slice %arg6[%dma_start3A_53] : memref<10000xi32, #tpu.memory_space<vmem>> -> memref<128xi32, #tpu.memory_space<vmem>>
    %dma_start3A_55 = arith.constant 0 : i32
    %dma_start3A_56 = arith.constant 0 : i32
    %dma_start3A_57 = tpu.memref_slice %arg2[%dma_start3A_55, %dma_start3A_56] : memref<10112x16xf32, #tpu.memory_space<hbm>> -> memref<10112x16xf32, #tpu.memory_space<hbm>>
    tpu.enqueue_indirect_dma source(%dma_start3A_57 : memref<10112x16xf32, #tpu.memory_space<hbm>>) target(%dma_start3A_52 : memref<128x16xf32, #tpu.memory_space<vmem>>) offsets(%dma_start3A_54 : memref<128xi32, #tpu.memory_space<vmem>>) semaphore(%arg10 : memref<!tpu.dma_semaphore, #tpu.memory_space<semaphore_mem>>)
    %dma_start3A_58 = arith.constant 5 : i32
    %dma_start3A_59 = arith.constant 0 : i32
    %dma_start3A_60 = arith.constant 0 : i32
    %dma_start3A_61 = tpu.memref_slice %arg8[%dma_start3A_58, %dma_start3A_59, %dma_start3A_60] : memref<32x128x16xf32, #tpu.memory_space<vmem>> -> memref<1x128x16xf32, #tpu.memory_space<vmem>>
    %dma_start3A_62 = tpu.memref_squeeze %dma_start3A_61 : memref<1x128x16xf32, #tpu.memory_space<vmem>> -> memref<128x16xf32, #tpu.memory_space<vmem>>
    %dma_start3A_63 = arith.constant 640 : i32
    %dma_start3A_64 = tpu.memref_slice %arg6[%dma_start3A_63] : memref<10000xi32, #tpu.memory_space<vmem>> -> memref<128xi32, #tpu.memory_space<vmem>>
    %dma_start3A_65 = arith.constant 0 : i32
    %dma_start3A_66 = arith.constant 0 : i32
    %dma_start3A_67 = tpu.memref_slice %arg2[%dma_start3A_65, %dma_start3A_66] : memref<10112x16xf32, #tpu.memory_space<hbm>> -> memref<10112x16xf32, #tpu.memory_space<hbm>>
    tpu.enqueue_indirect_dma source(%dma_start3A_67 : memref<10112x16xf32, #tpu.memory_space<hbm>>) target(%dma_start3A_62 : memref<128x16xf32, #tpu.memory_space<vmem>>) offsets(%dma_start3A_64 : memref<128xi32, #tpu.memory_space<vmem>>) semaphore(%arg10 : memref<!tpu.dma_semaphore, #tpu.memory_space<semaphore_mem>>)
    %dma_start3A_68 = arith.constant 6 : i32
    %dma_start3A_69 = arith.constant 0 : i32
    %dma_start3A_70 = arith.constant 0 : i32
    %dma_start3A_71 = tpu.memref_slice %arg8[%dma_start3A_68, %dma_start3A_69, %dma_start3A_70] : memref<32x128x16xf32, #tpu.memory_space<vmem>> -> memref<1x128x16xf32, #tpu.memory_space<vmem>>
    %dma_start3A_72 = tpu.memref_squeeze %dma_start3A_71 : memref<1x128x16xf32, #tpu.memory_space<vmem>> -> memref<128x16xf32, #tpu.memory_space<vmem>>
    %dma_start3A_73 = arith.constant 768 : i32
    %dma_start3A_74 = tpu.memref_slice %arg6[%dma_start3A_73] : memref<10000xi32, #tpu.memory_space<vmem>> -> memref<128xi32, #tpu.memory_space<vmem>>
    %dma_start3A_75 = arith.constant 0 : i32
    %dma_start3A_76 = arith.constant 0 : i32
    %dma_start3A_77 = tpu.memref_slice %arg2[%dma_start3A_75, %dma_start3A_76] : memref<10112x16xf32, #tpu.memory_space<hbm>> -> memref<10112x16xf32, #tpu.memory_space<hbm>>
    tpu.enqueue_indirect_dma source(%dma_start3A_77 : memref<10112x16xf32, #tpu.memory_space<hbm>>) target(%dma_start3A_72 : memref<128x16xf32, #tpu.memory_space<vmem>>) offsets(%dma_start3A_74 : memref<128xi32, #tpu.memory_space<vmem>>) semaphore(%arg10 : memref<!tpu.dma_semaphore, #tpu.memory_space<semaphore_mem>>)
    %dma_start3A_78 = arith.constant 7 : i32
    %dma_start3A_79 = arith.constant 0 : i32
    %dma_start3A_80 = arith.constant 0 : i32
    %dma_start3A_81 = tpu.memref_slice %arg8[%dma_start3A_78, %dma_start3A_79, %dma_start3A_80] : memref<32x128x16xf32, #tpu.memory_space<vmem>> -> memref<1x128x16xf32, #tpu.memory_space<vmem>>
    %dma_start3A_82 = tpu.memref_squeeze %dma_start3A_81 : memref<1x128x16xf32, #tpu.memory_space<vmem>> -> memref<128x16xf32, #tpu.memory_space<vmem>>
    %dma_start3A_83 = arith.constant 896 : i32
    %dma_start3A_84 = tpu.memref_slice %arg6[%dma_start3A_83] : memref<10000xi32, #tpu.memory_space<vmem>> -> memref<128xi32, #tpu.memory_space<vmem>>
    %dma_start3A_85 = arith.constant 0 : i32
    %dma_start3A_86 = arith.constant 0 : i32
    %dma_start3A_87 = tpu.memref_slice %arg2[%dma_start3A_85, %dma_start3A_86] : memref<10112x16xf32, #tpu.memory_space<hbm>> -> memref<10112x16xf32, #tpu.memory_space<hbm>>
    tpu.enqueue_indirect_dma source(%dma_start3A_87 : memref<10112x16xf32, #tpu.memory_space<hbm>>) target(%dma_start3A_82 : memref<128x16xf32, #tpu.memory_space<vmem>>) offsets(%dma_start3A_84 : memref<128xi32, #tpu.memory_space<vmem>>) semaphore(%arg10 : memref<!tpu.dma_semaphore, #tpu.memory_space<semaphore_mem>>)
    %dma_start3A_88 = arith.constant 8 : i32
    %dma_start3A_89 = arith.constant 0 : i32
    %dma_start3A_90 = arith.constant 0 : i32
    %dma_start3A_91 = tpu.memref_slice %arg8[%dma_start3A_88, %dma_start3A_89, %dma_start3A_90] : memref<32x128x16xf32, #tpu.memory_space<vmem>> -> memref<1x128x16xf32, #tpu.memory_space<vmem>>
    %dma_start3A_92 = tpu.memref_squeeze %dma_start3A_91 : memref<1x128x16xf32, #tpu.memory_space<vmem>> -> memref<128x16xf32, #tpu.memory_space<vmem>>
    %dma_start3A_93 = arith.constant 1024 : i32
    %dma_start3A_94 = tpu.memref_slice %arg6[%dma_start3A_93] : memref<10000xi32, #tpu.memory_space<vmem>> -> memref<128xi32, #tpu.memory_space<vmem>>
    %dma_start3A_95 = arith.constant 0 : i32
    %dma_start3A_96 = arith.constant 0 : i32
    %dma_start3A_97 = tpu.memref_slice %arg2[%dma_start3A_95, %dma_start3A_96] : memref<10112x16xf32, #tpu.memory_space<hbm>> -> memref<10112x16xf32, #tpu.memory_space<hbm>>
    tpu.enqueue_indirect_dma source(%dma_start3A_97 : memref<10112x16xf32, #tpu.memory_space<hbm>>) target(%dma_start3A_92 : memref<128x16xf32, #tpu.memory_space<vmem>>) offsets(%dma_start3A_94 : memref<128xi32, #tpu.memory_space<vmem>>) semaphore(%arg10 : memref<!tpu.dma_semaphore, #tpu.memory_space<semaphore_mem>>)
    %dma_start3A_98 = arith.constant 9 : i32
    %dma_start3A_99 = arith.constant 0 : i32
    %dma_start3A_100 = arith.constant 0 : i32
    %dma_start3A_101 = tpu.memref_slice %arg8[%dma_start3A_98, %dma_start3A_99, %dma_start3A_100] : memref<32x128x16xf32, #tpu.memory_space<vmem>> -> memref<1x128x16xf32, #tpu.memory_space<vmem>>
    %dma_start3A_102 = tpu.memref_squeeze %dma_start3A_101 : memref<1x128x16xf32, #tpu.memory_space<vmem>> -> memref<128x16xf32, #tpu.memory_space<vmem>>
    %dma_start3A_103 = arith.constant 1152 : i32
    %dma_start3A_104 = tpu.memref_slice %arg6[%dma_start3A_103] : memref<10000xi32, #tpu.memory_space<vmem>> -> memref<128xi32, #tpu.memory_space<vmem>>
    %dma_start3A_105 = arith.constant 0 : i32
    %dma_start3A_106 = arith.constant 0 : i32
    %dma_start3A_107 = tpu.memref_slice %arg2[%dma_start3A_105, %dma_start3A_106] : memref<10112x16xf32, #tpu.memory_space<hbm>> -> memref<10112x16xf32, #tpu.memory_space<hbm>>
    tpu.enqueue_indirect_dma source(%dma_start3A_107 : memref<10112x16xf32, #tpu.memory_space<hbm>>) target(%dma_start3A_102 : memref<128x16xf32, #tpu.memory_space<vmem>>) offsets(%dma_start3A_104 : memref<128xi32, #tpu.memory_space<vmem>>) semaphore(%arg10 : memref<!tpu.dma_semaphore, #tpu.memory_space<semaphore_mem>>)
    %dma_start3A_108 = arith.constant 10 : i32
    %dma_start3A_109 = arith.constant 0 : i32
    %dma_start3A_110 = arith.constant 0 : i32
    %dma_start3A_111 = tpu.memref_slice %arg8[%dma_start3A_108, %dma_start3A_109, %dma_start3A_110] : memref<32x128x16xf32, #tpu.memory_space<vmem>> -> memref<1x128x16xf32, #tpu.memory_space<vmem>>
    %dma_start3A_112 = tpu.memref_squeeze %dma_start3A_111 : memref<1x128x16xf32, #tpu.memory_space<vmem>> -> memref<128x16xf32, #tpu.memory_space<vmem>>
    %dma_start3A_113 = arith.constant 1280 : i32
    %dma_start3A_114 = tpu.memref_slice %arg6[%dma_start3A_113] : memref<10000xi32, #tpu.memory_space<vmem>> -> memref<128xi32, #tpu.memory_space<vmem>>
    %dma_start3A_115 = arith.constant 0 : i32
    %dma_start3A_116 = arith.constant 0 : i32
    %dma_start3A_117 = tpu.memref_slice %arg2[%dma_start3A_115, %dma_start3A_116] : memref<10112x16xf32, #tpu.memory_space<hbm>> -> memref<10112x16xf32, #tpu.memory_space<hbm>>
    tpu.enqueue_indirect_dma source(%dma_start3A_117 : memref<10112x16xf32, #tpu.memory_space<hbm>>) target(%dma_start3A_112 : memref<128x16xf32, #tpu.memory_space<vmem>>) offsets(%dma_start3A_114 : memref<128xi32, #tpu.memory_space<vmem>>) semaphore(%arg10 : memref<!tpu.dma_semaphore, #tpu.memory_space<semaphore_mem>>)
    %dma_start3A_118 = arith.constant 11 : i32
    %dma_start3A_119 = arith.constant 0 : i32
    %dma_start3A_120 = arith.constant 0 : i32
    %dma_start3A_121 = tpu.memref_slice %arg8[%dma_start3A_118, %dma_start3A_119, %dma_start3A_120] : memref<32x128x16xf32, #tpu.memory_space<vmem>> -> memref<1x128x16xf32, #tpu.memory_space<vmem>>
    %dma_start3A_122 = tpu.memref_squeeze %dma_start3A_121 : memref<1x128x16xf32, #tpu.memory_space<vmem>> -> memref<128x16xf32, #tpu.memory_space<vmem>>
    %dma_start3A_123 = arith.constant 1408 : i32
    %dma_start3A_124 = tpu.memref_slice %arg6[%dma_start3A_123] : memref<10000xi32, #tpu.memory_space<vmem>> -> memref<128xi32, #tpu.memory_space<vmem>>
    %dma_start3A_125 = arith.constant 0 : i32
    %dma_start3A_126 = arith.constant 0 : i32
    %dma_start3A_127 = tpu.memref_slice %arg2[%dma_start3A_125, %dma_start3A_126] : memref<10112x16xf32, #tpu.memory_space<hbm>> -> memref<10112x16xf32, #tpu.memory_space<hbm>>
    tpu.enqueue_indirect_dma source(%dma_start3A_127 : memref<10112x16xf32, #tpu.memory_space<hbm>>) target(%dma_start3A_122 : memref<128x16xf32, #tpu.memory_space<vmem>>) offsets(%dma_start3A_124 : memref<128xi32, #tpu.memory_space<vmem>>) semaphore(%arg10 : memref<!tpu.dma_semaphore, #tpu.memory_space<semaphore_mem>>)
    %dma_start3A_128 = arith.constant 12 : i32
    %dma_start3A_129 = arith.constant 0 : i32
    %dma_start3A_130 = arith.constant 0 : i32
    %dma_start3A_131 = tpu.memref_slice %arg8[%dma_start3A_128, %dma_start3A_129, %dma_start3A_130] : memref<32x128x16xf32, #tpu.memory_space<vmem>> -> memref<1x128x16xf32, #tpu.memory_space<vmem>>
    %dma_start3A_132 = tpu.memref_squeeze %dma_start3A_131 : memref<1x128x16xf32, #tpu.memory_space<vmem>> -> memref<128x16xf32, #tpu.memory_space<vmem>>
    %dma_start3A_133 = arith.constant 1536 : i32
    %dma_start3A_134 = tpu.memref_slice %arg6[%dma_start3A_133] : memref<10000xi32, #tpu.memory_space<vmem>> -> memref<128xi32, #tpu.memory_space<vmem>>
    %dma_start3A_135 = arith.constant 0 : i32
    %dma_start3A_136 = arith.constant 0 : i32
    %dma_start3A_137 = tpu.memref_slice %arg2[%dma_start3A_135, %dma_start3A_136] : memref<10112x16xf32, #tpu.memory_space<hbm>> -> memref<10112x16xf32, #tpu.memory_space<hbm>>
    tpu.enqueue_indirect_dma source(%dma_start3A_137 : memref<10112x16xf32, #tpu.memory_space<hbm>>) target(%dma_start3A_132 : memref<128x16xf32, #tpu.memory_space<vmem>>) offsets(%dma_start3A_134 : memref<128xi32, #tpu.memory_space<vmem>>) semaphore(%arg10 : memref<!tpu.dma_semaphore, #tpu.memory_space<semaphore_mem>>)
    %dma_start3A_138 = arith.constant 13 : i32
    %dma_start3A_139 = arith.constant 0 : i32
    %dma_start3A_140 = arith.constant 0 : i32
    %dma_start3A_141 = tpu.memref_slice %arg8[%dma_start3A_138, %dma_start3A_139, %dma_start3A_140] : memref<32x128x16xf32, #tpu.memory_space<vmem>> -> memref<1x128x16xf32, #tpu.memory_space<vmem>>
    %dma_start3A_142 = tpu.memref_squeeze %dma_start3A_141 : memref<1x128x16xf32, #tpu.memory_space<vmem>> -> memref<128x16xf32, #tpu.memory_space<vmem>>
    %dma_start3A_143 = arith.constant 1664 : i32
    %dma_start3A_144 = tpu.memref_slice %arg6[%dma_start3A_143] : memref<10000xi32, #tpu.memory_space<vmem>> -> memref<128xi32, #tpu.memory_space<vmem>>
    %dma_start3A_145 = arith.constant 0 : i32
    %dma_start3A_146 = arith.constant 0 : i32
    %dma_start3A_147 = tpu.memref_slice %arg2[%dma_start3A_145, %dma_start3A_146] : memref<10112x16xf32, #tpu.memory_space<hbm>> -> memref<10112x16xf32, #tpu.memory_space<hbm>>
    tpu.enqueue_indirect_dma source(%dma_start3A_147 : memref<10112x16xf32, #tpu.memory_space<hbm>>) target(%dma_start3A_142 : memref<128x16xf32, #tpu.memory_space<vmem>>) offsets(%dma_start3A_144 : memref<128xi32, #tpu.memory_space<vmem>>) semaphore(%arg10 : memref<!tpu.dma_semaphore, #tpu.memory_space<semaphore_mem>>)
    %dma_start3A_148 = arith.constant 14 : i32
    %dma_start3A_149 = arith.constant 0 : i32
    %dma_start3A_150 = arith.constant 0 : i32
    %dma_start3A_151 = tpu.memref_slice %arg8[%dma_start3A_148, %dma_start3A_149, %dma_start3A_150] : memref<32x128x16xf32, #tpu.memory_space<vmem>> -> memref<1x128x16xf32, #tpu.memory_space<vmem>>
    %dma_start3A_152 = tpu.memref_squeeze %dma_start3A_151 : memref<1x128x16xf32, #tpu.memory_space<vmem>> -> memref<128x16xf32, #tpu.memory_space<vmem>>
    %dma_start3A_153 = arith.constant 1792 : i32
    %dma_start3A_154 = tpu.memref_slice %arg6[%dma_start3A_153] : memref<10000xi32, #tpu.memory_space<vmem>> -> memref<128xi32, #tpu.memory_space<vmem>>
    %dma_start3A_155 = arith.constant 0 : i32
    %dma_start3A_156 = arith.constant 0 : i32
    %dma_start3A_157 = tpu.memref_slice %arg2[%dma_start3A_155, %dma_start3A_156] : memref<10112x16xf32, #tpu.memory_space<hbm>> -> memref<10112x16xf32, #tpu.memory_space<hbm>>
    tpu.enqueue_indirect_dma source(%dma_start3A_157 : memref<10112x16xf32, #tpu.memory_space<hbm>>) target(%dma_start3A_152 : memref<128x16xf32, #tpu.memory_space<vmem>>) offsets(%dma_start3A_154 : memref<128xi32, #tpu.memory_space<vmem>>) semaphore(%arg10 : memref<!tpu.dma_semaphore, #tpu.memory_space<semaphore_mem>>)
    %dma_start3A_158 = arith.constant 15 : i32
    %dma_start3A_159 = arith.constant 0 : i32
    %dma_start3A_160 = arith.constant 0 : i32
    %dma_start3A_161 = tpu.memref_slice %arg8[%dma_start3A_158, %dma_start3A_159, %dma_start3A_160] : memref<32x128x16xf32, #tpu.memory_space<vmem>> -> memref<1x128x16xf32, #tpu.memory_space<vmem>>
    %dma_start3A_162 = tpu.memref_squeeze %dma_start3A_161 : memref<1x128x16xf32, #tpu.memory_space<vmem>> -> memref<128x16xf32, #tpu.memory_space<vmem>>
    %dma_start3A_163 = arith.constant 1920 : i32
    %dma_start3A_164 = tpu.memref_slice %arg6[%dma_start3A_163] : memref<10000xi32, #tpu.memory_space<vmem>> -> memref<128xi32, #tpu.memory_space<vmem>>
    %dma_start3A_165 = arith.constant 0 : i32
    %dma_start3A_166 = arith.constant 0 : i32
    %dma_start3A_167 = tpu.memref_slice %arg2[%dma_start3A_165, %dma_start3A_166] : memref<10112x16xf32, #tpu.memory_space<hbm>> -> memref<10112x16xf32, #tpu.memory_space<hbm>>
    tpu.enqueue_indirect_dma source(%dma_start3A_167 : memref<10112x16xf32, #tpu.memory_space<hbm>>) target(%dma_start3A_162 : memref<128x16xf32, #tpu.memory_space<vmem>>) offsets(%dma_start3A_164 : memref<128xi32, #tpu.memory_space<vmem>>) semaphore(%arg10 : memref<!tpu.dma_semaphore, #tpu.memory_space<semaphore_mem>>)
    %scan3A = arith.constant 0 : i32
    %scan3A_168 = arith.constant 0 : i32
    %scan3A_169 = arith.constant 78 : i32
    %scan3A_170 = arith.addi %scan3A_168, %scan3A_169 : i32
    %scan3A_171 = arith.constant 1 : i32
    %scan3A_172 = scf.for %scan3A_221 = %scan3A_168 to %scan3A_170 step %scan3A_171 iter_args(%scan3A_222 = %scan3A) -> (i32)  : i32 {
      %dma_wait3A_223 = arith.constant 0 : i32
      %dma_wait3A_224 = arith.constant 0 : i32
      %dma_wait3A_225 = arith.constant 0 : i32
      %dma_wait3A_226 = tpu.memref_slice %arg8[%dma_wait3A_223, %dma_wait3A_224, %dma_wait3A_225] : memref<32x128x16xf32, #tpu.memory_space<vmem>> -> memref<1x128x16xf32, #tpu.memory_space<vmem>>
      %dma_wait3A_227 = tpu.memref_squeeze %dma_wait3A_226 : memref<1x128x16xf32, #tpu.memory_space<vmem>> -> memref<128x16xf32, #tpu.memory_space<vmem>>
      %dma_wait3A_228 = arith.constant 0 : i32
      %dma_wait3A_229 = tpu.memref_slice %arg6[%dma_wait3A_228] : memref<10000xi32, #tpu.memory_space<vmem>> -> memref<128xi32, #tpu.memory_space<vmem>>
      %dma_wait3A_230 = arith.constant 0 : i32
      %dma_wait3A_231 = arith.constant 0 : i32
      %dma_wait3A_232 = tpu.memref_slice %arg2[%dma_wait3A_230, %dma_wait3A_231] : memref<10112x16xf32, #tpu.memory_space<hbm>> -> memref<10112x16xf32, #tpu.memory_space<hbm>>
      tpu.wait_indirect_dma semaphore(%arg10 : memref<!tpu.dma_semaphore, #tpu.memory_space<semaphore_mem>>) src(%dma_wait3A_232 : memref<10112x16xf32, #tpu.memory_space<hbm>>) dst(%dma_wait3A_227 : memref<128x16xf32, #tpu.memory_space<vmem>>)
      %ge3A = arith.constant 16 : i32
      %ge3A_233 = arith.cmpi sge, %scan3A_221, %ge3A : i32
      %convert_element_type3A = arith.extui %ge3A_233 : i1 to i32
      %cond3A = arith.constant 0 : i32
      %cond3A_234 = arith.cmpi ne, %convert_element_type3A, %cond3A : i32
      scf.if %cond3A_234 {
        %dma_wait3A_254 = arith.constant 0 : i32
        %dma_wait3A_255 = arith.constant 0 : i32
        %dma_wait3A_256 = arith.constant 0 : i32
        %dma_wait3A_257 = tpu.memref_slice %arg8[%dma_wait3A_254, %dma_wait3A_255, %dma_wait3A_256] : memref<32x128x16xf32, #tpu.memory_space<vmem>> -> memref<1x128x16xf32, #tpu.memory_space<vmem>>
        %dma_wait3A_258 = tpu.memref_squeeze %dma_wait3A_257 : memref<1x128x16xf32, #tpu.memory_space<vmem>> -> memref<128x16xf32, #tpu.memory_space<vmem>>
        %dma_wait3A_259 = arith.constant 0 : i32
        %dma_wait3A_260 = tpu.memref_slice %arg7[%dma_wait3A_259] : memref<10000xi32, #tpu.memory_space<vmem>> -> memref<128xi32, #tpu.memory_space<vmem>>
        %dma_wait3A_261 = arith.constant 0 : i32
        %dma_wait3A_262 = arith.constant 0 : i32
        %dma_wait3A_263 = tpu.memref_slice %arg9[%dma_wait3A_261, %dma_wait3A_262] : memref<10112x16xf32, #tpu.memory_space<vmem_shared>> -> memref<10112x16xf32, #tpu.memory_space<vmem_shared>>
        tpu.wait_indirect_dma semaphore(%arg11 : memref<!tpu.dma_semaphore, #tpu.memory_space<semaphore_mem>>) src(%dma_wait3A_258 : memref<128x16xf32, #tpu.memory_space<vmem>>) dst(%dma_wait3A_263 : memref<10112x16xf32, #tpu.memory_space<vmem_shared>>)
      } else {
      }
      %add3A_235 = arith.constant 32 : i32
      %add3A_236 = arith.addi %scan3A_221, %add3A_235 : i32
      %sub3A = arith.constant 16 : i32
      %sub3A_237 = arith.subi %add3A_236, %sub3A : i32
      %lt3A = arith.constant 78 : i32
      %lt3A_238 = arith.cmpi slt, %sub3A_237, %lt3A : i32
      %convert_element_type3A_239 = arith.extui %lt3A_238 : i1 to i32
      %cond3A_240 = arith.constant 0 : i32
      %cond3A_241 = arith.cmpi ne, %convert_element_type3A_239, %cond3A_240 : i32
      scf.if %cond3A_241 {
        %rem3A_254 = arith.constant 32 : i32
        %rem3A_255 = arith.remsi %sub3A_237, %rem3A_254 : i32
        %mul3A_256 = arith.constant 128 : i32
        %mul3A_257 = arith.muli %sub3A_237, %mul3A_256 : i32
        %dma_start3A_258 = arith.constant 0 : i32
        %dma_start3A_259 = arith.constant 0 : i32
        %dma_start3A_260 = tpu.memref_slice %arg8[%rem3A_255, %dma_start3A_258, %dma_start3A_259] : memref<32x128x16xf32, #tpu.memory_space<vmem>> -> memref<1x128x16xf32, #tpu.memory_space<vmem>>
        %dma_start3A_261 = tpu.memref_squeeze %dma_start3A_260 : memref<1x128x16xf32, #tpu.memory_space<vmem>> -> memref<128x16xf32, #tpu.memory_space<vmem>>
        %dma_start3A_262 = tpu.memref_slice %arg6[%mul3A_257] : memref<10000xi32, #tpu.memory_space<vmem>> -> memref<128xi32, #tpu.memory_space<vmem>>
        %dma_start3A_263 = arith.constant 0 : i32
        %dma_start3A_264 = arith.constant 0 : i32
        %dma_start3A_265 = tpu.memref_slice %arg2[%dma_start3A_263, %dma_start3A_264] : memref<10112x16xf32, #tpu.memory_space<hbm>> -> memref<10112x16xf32, #tpu.memory_space<hbm>>
        tpu.enqueue_indirect_dma source(%dma_start3A_265 : memref<10112x16xf32, #tpu.memory_space<hbm>>) target(%dma_start3A_261 : memref<128x16xf32, #tpu.memory_space<vmem>>) offsets(%dma_start3A_262 : memref<128xi32, #tpu.memory_space<vmem>>) semaphore(%arg10 : memref<!tpu.dma_semaphore, #tpu.memory_space<semaphore_mem>>)
      } else {
      }
      %rem3A = arith.constant 32 : i32
      %rem3A_242 = arith.remsi %scan3A_221, %rem3A : i32
      %mul3A_243 = arith.constant 128 : i32
      %mul3A_244 = arith.muli %scan3A_221, %mul3A_243 : i32
      %dma_start3A_245 = arith.constant 0 : i32
      %dma_start3A_246 = arith.constant 0 : i32
      %dma_start3A_247 = tpu.memref_slice %arg8[%rem3A_242, %dma_start3A_245, %dma_start3A_246] : memref<32x128x16xf32, #tpu.memory_space<vmem>> -> memref<1x128x16xf32, #tpu.memory_space<vmem>>
      %dma_start3A_248 = tpu.memref_squeeze %dma_start3A_247 : memref<1x128x16xf32, #tpu.memory_space<vmem>> -> memref<128x16xf32, #tpu.memory_space<vmem>>
      %dma_start3A_249 = tpu.memref_slice %arg7[%mul3A_244] : memref<10000xi32, #tpu.memory_space<vmem>> -> memref<128xi32, #tpu.memory_space<vmem>>
      %dma_start3A_250 = arith.constant 0 : i32
      %dma_start3A_251 = arith.constant 0 : i32
      %dma_start3A_252 = tpu.memref_slice %arg9[%dma_start3A_250, %dma_start3A_251] : memref<10112x16xf32, #tpu.memory_space<vmem_shared>> -> memref<10112x16xf32, #tpu.memory_space<vmem_shared>>
      tpu.enqueue_indirect_dma source(%dma_start3A_248 : memref<128x16xf32, #tpu.memory_space<vmem>>) target(%dma_start3A_252 : memref<10112x16xf32, #tpu.memory_space<vmem_shared>>) offsets(%dma_start3A_249 : memref<128xi32, #tpu.memory_space<vmem>>) semaphore(%arg11 : memref<!tpu.dma_semaphore, #tpu.memory_space<semaphore_mem>>) {add = true}
      %scan3A_253 = arith.constant 0 : i32
      scf.yield %scan3A_253 : i32
    }
    %scan3A_173 = arith.constant 78 : i32
    %scan3A_174 = arith.constant 0 : i32
    %scan3A_175 = arith.constant 0 : i32
    %scan3A_176 = arith.constant 16 : i32
    %scan3A_177 = arith.addi %scan3A_175, %scan3A_176 : i32
    %scan3A_178 = arith.constant 1 : i32
    %scan3A_179 = scf.for %scan3A_221 = %scan3A_175 to %scan3A_177 step %scan3A_178 iter_args(%scan3A_222 = %scan3A_174) -> (i32)  : i32 {
      %dma_wait3A_223 = arith.constant 0 : i32
      %dma_wait3A_224 = arith.constant 0 : i32
      %dma_wait3A_225 = arith.constant 0 : i32
      %dma_wait3A_226 = tpu.memref_slice %arg8[%dma_wait3A_223, %dma_wait3A_224, %dma_wait3A_225] : memref<32x128x16xf32, #tpu.memory_space<vmem>> -> memref<1x128x16xf32, #tpu.memory_space<vmem>>
      %dma_wait3A_227 = tpu.memref_squeeze %dma_wait3A_226 : memref<1x128x16xf32, #tpu.memory_space<vmem>> -> memref<128x16xf32, #tpu.memory_space<vmem>>
      %dma_wait3A_228 = arith.constant 0 : i32
      %dma_wait3A_229 = tpu.memref_slice %arg7[%dma_wait3A_228] : memref<10000xi32, #tpu.memory_space<vmem>> -> memref<128xi32, #tpu.memory_space<vmem>>
      %dma_wait3A_230 = arith.constant 0 : i32
      %dma_wait3A_231 = arith.constant 0 : i32
      %dma_wait3A_232 = tpu.memref_slice %arg9[%dma_wait3A_230, %dma_wait3A_231] : memref<10112x16xf32, #tpu.memory_space<vmem_shared>> -> memref<10112x16xf32, #tpu.memory_space<vmem_shared>>
      tpu.wait_indirect_dma semaphore(%arg11 : memref<!tpu.dma_semaphore, #tpu.memory_space<semaphore_mem>>) src(%dma_wait3A_227 : memref<128x16xf32, #tpu.memory_space<vmem>>) dst(%dma_wait3A_232 : memref<10112x16xf32, #tpu.memory_space<vmem_shared>>)
      %scan3A_233 = arith.constant 0 : i32
      scf.yield %scan3A_233 : i32
    }
    %scan3A_180 = arith.constant 16 : i32
    %dma_start3A_181 = arith.constant 0 : i32
    %dma_start3A_182 = arith.constant 0 : i32
    %dma_start3A_183 = arith.constant 0 : i32
    %dma_start3A_184 = tpu.memref_slice %arg8[%dma_start3A_181, %dma_start3A_182, %dma_start3A_183] : memref<32x128x16xf32, #tpu.memory_space<vmem>> -> memref<1x16x16xf32, #tpu.memory_space<vmem>>
    %dma_start3A_185 = tpu.memref_squeeze %dma_start3A_184 : memref<1x16x16xf32, #tpu.memory_space<vmem>> -> memref<16x16xf32, #tpu.memory_space<vmem>>
    %dma_start3A_186 = arith.constant 9984 : i32
    %dma_start3A_187 = tpu.memref_slice %arg6[%dma_start3A_186] : memref<10000xi32, #tpu.memory_space<vmem>> -> memref<16xi32, #tpu.memory_space<vmem>>
    %dma_start3A_188 = arith.constant 0 : i32
    %dma_start3A_189 = arith.constant 0 : i32
    %dma_start3A_190 = tpu.memref_slice %arg2[%dma_start3A_188, %dma_start3A_189] : memref<10112x16xf32, #tpu.memory_space<hbm>> -> memref<10112x16xf32, #tpu.memory_space<hbm>>
    tpu.enqueue_indirect_dma source(%dma_start3A_190 : memref<10112x16xf32, #tpu.memory_space<hbm>>) target(%dma_start3A_185 : memref<16x16xf32, #tpu.memory_space<vmem>>) offsets(%dma_start3A_187 : memref<16xi32, #tpu.memory_space<vmem>>) semaphore(%arg10 : memref<!tpu.dma_semaphore, #tpu.memory_space<semaphore_mem>>)
    %dma_wait3A = arith.constant 0 : i32
    %dma_wait3A_191 = arith.constant 0 : i32
    %dma_wait3A_192 = arith.constant 0 : i32
    %dma_wait3A_193 = tpu.memref_slice %arg8[%dma_wait3A, %dma_wait3A_191, %dma_wait3A_192] : memref<32x128x16xf32, #tpu.memory_space<vmem>> -> memref<1x16x16xf32, #tpu.memory_space<vmem>>
    %dma_wait3A_194 = tpu.memref_squeeze %dma_wait3A_193 : memref<1x16x16xf32, #tpu.memory_space<vmem>> -> memref<16x16xf32, #tpu.memory_space<vmem>>
    %dma_wait3A_195 = arith.constant 9984 : i32
    %dma_wait3A_196 = tpu.memref_slice %arg6[%dma_wait3A_195] : memref<10000xi32, #tpu.memory_space<vmem>> -> memref<16xi32, #tpu.memory_space<vmem>>
    %dma_wait3A_197 = arith.constant 0 : i32
    %dma_wait3A_198 = arith.constant 0 : i32
    %dma_wait3A_199 = tpu.memref_slice %arg2[%dma_wait3A_197, %dma_wait3A_198] : memref<10112x16xf32, #tpu.memory_space<hbm>> -> memref<10112x16xf32, #tpu.memory_space<hbm>>
    tpu.wait_indirect_dma semaphore(%arg10 : memref<!tpu.dma_semaphore, #tpu.memory_space<semaphore_mem>>) src(%dma_wait3A_199 : memref<10112x16xf32, #tpu.memory_space<hbm>>) dst(%dma_wait3A_194 : memref<16x16xf32, #tpu.memory_space<vmem>>)
    %dma_start3A_200 = arith.constant 0 : i32
    %dma_start3A_201 = arith.constant 0 : i32
    %dma_start3A_202 = arith.constant 0 : i32
    %dma_start3A_203 = tpu.memref_slice %arg8[%dma_start3A_200, %dma_start3A_201, %dma_start3A_202] : memref<32x128x16xf32, #tpu.memory_space<vmem>> -> memref<1x16x16xf32, #tpu.memory_space<vmem>>
    %dma_start3A_204 = tpu.memref_squeeze %dma_start3A_203 : memref<1x16x16xf32, #tpu.memory_space<vmem>> -> memref<16x16xf32, #tpu.memory_space<vmem>>
    %dma_start3A_205 = arith.constant 9984 : i32
    %dma_start3A_206 = tpu.memref_slice %arg7[%dma_start3A_205] : memref<10000xi32, #tpu.memory_space<vmem>> -> memref<16xi32, #tpu.memory_space<vmem>>
    %dma_start3A_207 = arith.constant 0 : i32
    %dma_start3A_208 = arith.constant 0 : i32
    %dma_start3A_209 = tpu.memref_slice %arg9[%dma_start3A_207, %dma_start3A_208] : memref<10112x16xf32, #tpu.memory_space<vmem_shared>> -> memref<10112x16xf32, #tpu.memory_space<vmem_shared>>
    tpu.enqueue_indirect_dma source(%dma_start3A_204 : memref<16x16xf32, #tpu.memory_space<vmem>>) target(%dma_start3A_209 : memref<10112x16xf32, #tpu.memory_space<vmem_shared>>) offsets(%dma_start3A_206 : memref<16xi32, #tpu.memory_space<vmem>>) semaphore(%arg11 : memref<!tpu.dma_semaphore, #tpu.memory_space<semaphore_mem>>) {add = true}
    %dma_wait3A_210 = arith.constant 0 : i32
    %dma_wait3A_211 = arith.constant 0 : i32
    %dma_wait3A_212 = arith.constant 0 : i32
    %dma_wait3A_213 = tpu.memref_slice %arg8[%dma_wait3A_210, %dma_wait3A_211, %dma_wait3A_212] : memref<32x128x16xf32, #tpu.memory_space<vmem>> -> memref<1x16x16xf32, #tpu.memory_space<vmem>>
    %dma_wait3A_214 = tpu.memref_squeeze %dma_wait3A_213 : memref<1x16x16xf32, #tpu.memory_space<vmem>> -> memref<16x16xf32, #tpu.memory_space<vmem>>
    %dma_wait3A_215 = arith.constant 0 : i32
    %dma_wait3A_216 = tpu.memref_slice %arg7[%dma_wait3A_215] : memref<10000xi32, #tpu.memory_space<vmem>> -> memref<16xi32, #tpu.memory_space<vmem>>
    %dma_wait3A_217 = arith.constant 0 : i32
    %dma_wait3A_218 = arith.constant 0 : i32
    %dma_wait3A_219 = tpu.memref_slice %arg9[%dma_wait3A_217, %dma_wait3A_218] : memref<10112x16xf32, #tpu.memory_space<vmem_shared>> -> memref<10112x16xf32, #tpu.memory_space<vmem_shared>>
    tpu.wait_indirect_dma semaphore(%arg11 : memref<!tpu.dma_semaphore, #tpu.memory_space<semaphore_mem>>) src(%dma_wait3A_214 : memref<16x16xf32, #tpu.memory_space<vmem>>) dst(%dma_wait3A_219 : memref<10112x16xf32, #tpu.memory_space<vmem_shared>>)
    %barrier3A_220 = arith.constant 0 : index
    tpu.barrier barrier_id(%barrier3A_220)
    "tpu.region"() ({
      %run_scoped3A = tpu.sem_alloc : memref<!tpu.dma_semaphore, #tpu.memory_space<semaphore_mem>>
      %dma_start3A_221 = arith.constant 0 : i32
      %dma_start3A_222 = tpu.memref_slice %arg5[%arg0, %mul3A_2, %dma_start3A_221] : memref<2x10112x16xf32, #tpu.memory_space<hbm>> -> memref<1x632x16xf32, #tpu.memory_space<hbm>>
      %dma_start3A_223 = tpu.memref_squeeze %dma_start3A_222 : memref<1x632x16xf32, #tpu.memory_space<hbm>> -> memref<632x16xf32, #tpu.memory_space<hbm>>
      %dma_start3A_224 = arith.constant 0 : i32
      %dma_start3A_225 = tpu.memref_slice %arg9[%mul3A_2, %dma_start3A_224] : memref<10112x16xf32, #tpu.memory_space<vmem_shared>> -> memref<632x16xf32, #tpu.memory_space<vmem_shared>>
      tpu.enqueue_dma source(%dma_start3A_225 : memref<632x16xf32, #tpu.memory_space<vmem_shared>>) target(%dma_start3A_223 : memref<632x16xf32, #tpu.memory_space<hbm>>) target_semaphore(%run_scoped3A : memref<!tpu.dma_semaphore, #tpu.memory_space<semaphore_mem>>)
      %dma_wait3A_226 = arith.constant 0 : i32
      %dma_wait3A_227 = tpu.memref_slice %arg5[%arg0, %mul3A_2, %dma_wait3A_226] : memref<2x10112x16xf32, #tpu.memory_space<hbm>> -> memref<1x632x16xf32, #tpu.memory_space<hbm>>
      %dma_wait3A_228 = tpu.memref_squeeze %dma_wait3A_227 : memref<1x632x16xf32, #tpu.memory_space<hbm>> -> memref<632x16xf32, #tpu.memory_space<hbm>>
      %dma_wait3A_229 = arith.constant 0 : i32
      %dma_wait3A_230 = tpu.memref_slice %arg9[%mul3A_2, %dma_wait3A_229] : memref<10112x16xf32, #tpu.memory_space<vmem_shared>> -> memref<632x16xf32, #tpu.memory_space<vmem_shared>>
      tpu.wait_dma2 semaphore(%run_scoped3A : memref<!tpu.dma_semaphore, #tpu.memory_space<semaphore_mem>>) src(%dma_wait3A_230 : memref<632x16xf32, #tpu.memory_space<vmem_shared>>) dst(%dma_wait3A_228 : memref<632x16xf32, #tpu.memory_space<hbm>>)
      tpu.yield
    }) : () -> ()
    return
  }
}

module attributes {stable_mosaic.version = 14 : i64} {
  func.func @_scale1_body(%arg0: memref<1250x128xf32, #tpu.memory_space<vmem>>, %arg1: memref<2x1264x128xf32, #tpu.memory_space<vmem>>, %arg2: memref<1264x128xf32, #tpu.memory_space<vmem>>, %arg3: memref<1264x128xf32, #tpu.memory_space<vmem>>) attributes {dimension_semantics = [], scalar_prefetch = 0 : i64, scratch_operands = 0 : i64, tpu.core_type = #tpu.core_type<tc>} {
    %get3A = arith.constant 0 : index
    %get3A_0 = arith.constant 0 : index
    %get3A_1 = arith.constant 0 : index
    %get3A_2 = vector.load %arg1[%get3A, %get3A_0, %get3A_1] : memref<2x1264x128xf32, #tpu.memory_space<vmem>>, vector<1x1264x128xf32>
    %get3A_3 = vector.shape_cast %get3A_2 : vector<1x1264x128xf32> to vector<1264x128xf32>
    %get3A_4 = arith.constant 1 : index
    %get3A_5 = arith.constant 0 : index
    %get3A_6 = arith.constant 0 : index
    %get3A_7 = vector.load %arg1[%get3A_4, %get3A_5, %get3A_6] : memref<2x1264x128xf32, #tpu.memory_space<vmem>>, vector<1x1264x128xf32>
    %get3A_8 = vector.shape_cast %get3A_7 : vector<1x1264x128xf32> to vector<1264x128xf32>
    %add3A = arith.addf %get3A_3, %get3A_8 : vector<1264x128xf32>
    %add3A_9 = arith.constant 1.000000e+00 : f32
    %add3A_10 = vector.broadcast %add3A_9 : f32 to vector<1264x128xf32>
    %add3A_11 = arith.addf %add3A, %add3A_10 : vector<1264x128xf32>
    %rsqrt3A = math.rsqrt %add3A_11 : vector<1264x128xf32>
    %get3A_12 = arith.constant 0 : index
    %get3A_13 = arith.constant 0 : index
    %get3A_14 = vector.load %arg0[%get3A_12, %get3A_13] : memref<1250x128xf32, #tpu.memory_space<vmem>>, vector<1250x128xf32>
    %slice3A = vector.extract_strided_slice %rsqrt3A {offsets = [0, 0], sizes = [1250, 128], strides = [1, 1]} : vector<1264x128xf32> to vector<1250x128xf32>
    %mul3A = arith.mulf %get3A_14, %slice3A : vector<1250x128xf32>
    %jit3A = arith.constant 0 : i32
    %convert_element_type3A = arith.sitofp %jit3A : i32 to f32
    %pad3A = vector.broadcast %convert_element_type3A : f32 to vector<14x128xf32>
    %pad3A_15 = tpu.concatenate %mul3A, %pad3A in 0 : vector<1250x128xf32>, vector<14x128xf32> -> vector<1264x128xf32>
    %swap3A = arith.constant 0 : index
    %swap3A_16 = arith.constant 0 : index
    %swap3A_17 = vector.load %arg2[%swap3A, %swap3A_16] : memref<1264x128xf32, #tpu.memory_space<vmem>>, vector<1264x128xf32>
    tpu.vector_store %arg2[%swap3A, %swap3A_16], %pad3A_15 {strides = array<i32>} : memref<1264x128xf32, #tpu.memory_space<vmem>>, vector<1264x128xf32>,
    %swap3A_18 = arith.constant 0 : index
    %swap3A_19 = arith.constant 0 : index
    %swap3A_20 = vector.load %arg3[%swap3A_18, %swap3A_19] : memref<1264x128xf32, #tpu.memory_space<vmem>>, vector<1264x128xf32>
    tpu.vector_store %arg3[%swap3A_18, %swap3A_19], %rsqrt3A {strides = array<i32>} : memref<1264x128xf32, #tpu.memory_space<vmem>>, vector<1264x128xf32>,
    return
  }
}

module attributes {stable_mosaic.version = 14 : i64} {
  func.func @_mm1_body(%arg0: memref<1250x8x128xf32, #tpu.memory_space<vmem>>, %arg1: memref<128x16xf32, #tpu.memory_space<vmem>>, %arg2: memref<1250x128xf32, #tpu.memory_space<vmem>>) attributes {dimension_semantics = [], scalar_prefetch = 0 : i64, scratch_operands = 0 : i64, tpu.core_type = #tpu.core_type<tc>} {
    %get3A = arith.constant 0 : index
    %get3A_0 = arith.constant 0 : index
    %get3A_1 = vector.load %arg1[%get3A, %get3A_0] : memref<128x16xf32, #tpu.memory_space<vmem>>, vector<128x16xf32>
    %get3A_2 = arith.constant 0 : index
    %get3A_3 = arith.constant 0 : index
    %get3A_4 = arith.constant 0 : index
    %get3A_5 = vector.load %arg0[%get3A_2, %get3A_3, %get3A_4] : memref<1250x8x128xf32, #tpu.memory_space<vmem>>, vector<1250x1x128xf32>
    %get3A_6 = vector.shape_cast %get3A_5 : vector<1250x1x128xf32> to vector<1250x128xf32>
    %dot_general3A = arith.constant dense<0.000000e+00> : vector<1250x16xf32>
    %dot_general3A_7 = tpu.matmul %get3A_6, %get3A_1, %dot_general3A {dimension_numbers = #tpu.dot_dimension_numbers<[1], [0], [0], [1], [0, 0, 1, 1], [], []>, transpose_lhs_hint = false} : vector<1250x128xf32>, vector<128x16xf32>, vector<1250x16xf32> -> vector<1250x16xf32>
    %get3A_8 = arith.constant 0 : index
    %get3A_9 = arith.constant 1 : index
    %get3A_10 = arith.constant 0 : index
    %get3A_11 = vector.load %arg0[%get3A_8, %get3A_9, %get3A_10] : memref<1250x8x128xf32, #tpu.memory_space<vmem>>, vector<1250x1x128xf32>
    %get3A_12 = vector.shape_cast %get3A_11 : vector<1250x1x128xf32> to vector<1250x128xf32>
    %dot_general3A_13 = arith.constant dense<0.000000e+00> : vector<1250x16xf32>
    %dot_general3A_14 = tpu.matmul %get3A_12, %get3A_1, %dot_general3A_13 {dimension_numbers = #tpu.dot_dimension_numbers<[1], [0], [0], [1], [0, 0, 1, 1], [], []>, transpose_lhs_hint = false} : vector<1250x128xf32>, vector<128x16xf32>, vector<1250x16xf32> -> vector<1250x16xf32>
    %get3A_15 = arith.constant 0 : index
    %get3A_16 = arith.constant 2 : index
    %get3A_17 = arith.constant 0 : index
    %get3A_18 = vector.load %arg0[%get3A_15, %get3A_16, %get3A_17] : memref<1250x8x128xf32, #tpu.memory_space<vmem>>, vector<1250x1x128xf32>
    %get3A_19 = vector.shape_cast %get3A_18 : vector<1250x1x128xf32> to vector<1250x128xf32>
    %dot_general3A_20 = arith.constant dense<0.000000e+00> : vector<1250x16xf32>
    %dot_general3A_21 = tpu.matmul %get3A_19, %get3A_1, %dot_general3A_20 {dimension_numbers = #tpu.dot_dimension_numbers<[1], [0], [0], [1], [0, 0, 1, 1], [], []>, transpose_lhs_hint = false} : vector<1250x128xf32>, vector<128x16xf32>, vector<1250x16xf32> -> vector<1250x16xf32>
    %get3A_22 = arith.constant 0 : index
    %get3A_23 = arith.constant 3 : index
    %get3A_24 = arith.constant 0 : index
    %get3A_25 = vector.load %arg0[%get3A_22, %get3A_23, %get3A_24] : memref<1250x8x128xf32, #tpu.memory_space<vmem>>, vector<1250x1x128xf32>
    %get3A_26 = vector.shape_cast %get3A_25 : vector<1250x1x128xf32> to vector<1250x128xf32>
    %dot_general3A_27 = arith.constant dense<0.000000e+00> : vector<1250x16xf32>
    %dot_general3A_28 = tpu.matmul %get3A_26, %get3A_1, %dot_general3A_27 {dimension_numbers = #tpu.dot_dimension_numbers<[1], [0], [0], [1], [0, 0, 1, 1], [], []>, transpose_lhs_hint = false} : vector<1250x128xf32>, vector<128x16xf32>, vector<1250x16xf32> -> vector<1250x16xf32>
    %get3A_29 = arith.constant 0 : index
    %get3A_30 = arith.constant 4 : index
    %get3A_31 = arith.constant 0 : index
    %get3A_32 = vector.load %arg0[%get3A_29, %get3A_30, %get3A_31] : memref<1250x8x128xf32, #tpu.memory_space<vmem>>, vector<1250x1x128xf32>
    %get3A_33 = vector.shape_cast %get3A_32 : vector<1250x1x128xf32> to vector<1250x128xf32>
    %dot_general3A_34 = arith.constant dense<0.000000e+00> : vector<1250x16xf32>
    %dot_general3A_35 = tpu.matmul %get3A_33, %get3A_1, %dot_general3A_34 {dimension_numbers = #tpu.dot_dimension_numbers<[1], [0], [0], [1], [0, 0, 1, 1], [], []>, transpose_lhs_hint = false} : vector<1250x128xf32>, vector<128x16xf32>, vector<1250x16xf32> -> vector<1250x16xf32>
    %get3A_36 = arith.constant 0 : index
    %get3A_37 = arith.constant 5 : index
    %get3A_38 = arith.constant 0 : index
    %get3A_39 = vector.load %arg0[%get3A_36, %get3A_37, %get3A_38] : memref<1250x8x128xf32, #tpu.memory_space<vmem>>, vector<1250x1x128xf32>
    %get3A_40 = vector.shape_cast %get3A_39 : vector<1250x1x128xf32> to vector<1250x128xf32>
    %dot_general3A_41 = arith.constant dense<0.000000e+00> : vector<1250x16xf32>
    %dot_general3A_42 = tpu.matmul %get3A_40, %get3A_1, %dot_general3A_41 {dimension_numbers = #tpu.dot_dimension_numbers<[1], [0], [0], [1], [0, 0, 1, 1], [], []>, transpose_lhs_hint = false} : vector<1250x128xf32>, vector<128x16xf32>, vector<1250x16xf32> -> vector<1250x16xf32>
    %get3A_43 = arith.constant 0 : index
    %get3A_44 = arith.constant 6 : index
    %get3A_45 = arith.constant 0 : index
    %get3A_46 = vector.load %arg0[%get3A_43, %get3A_44, %get3A_45] : memref<1250x8x128xf32, #tpu.memory_space<vmem>>, vector<1250x1x128xf32>
    %get3A_47 = vector.shape_cast %get3A_46 : vector<1250x1x128xf32> to vector<1250x128xf32>
    %dot_general3A_48 = arith.constant dense<0.000000e+00> : vector<1250x16xf32>
    %dot_general3A_49 = tpu.matmul %get3A_47, %get3A_1, %dot_general3A_48 {dimension_numbers = #tpu.dot_dimension_numbers<[1], [0], [0], [1], [0, 0, 1, 1], [], []>, transpose_lhs_hint = false} : vector<1250x128xf32>, vector<128x16xf32>, vector<1250x16xf32> -> vector<1250x16xf32>
    %get3A_50 = arith.constant 0 : index
    %get3A_51 = arith.constant 7 : index
    %get3A_52 = arith.constant 0 : index
    %get3A_53 = vector.load %arg0[%get3A_50, %get3A_51, %get3A_52] : memref<1250x8x128xf32, #tpu.memory_space<vmem>>, vector<1250x1x128xf32>
    %get3A_54 = vector.shape_cast %get3A_53 : vector<1250x1x128xf32> to vector<1250x128xf32>
    %dot_general3A_55 = arith.constant dense<0.000000e+00> : vector<1250x16xf32>
    %dot_general3A_56 = tpu.matmul %get3A_54, %get3A_1, %dot_general3A_55 {dimension_numbers = #tpu.dot_dimension_numbers<[1], [0], [0], [1], [0, 0, 1, 1], [], []>, transpose_lhs_hint = false} : vector<1250x128xf32>, vector<128x16xf32>, vector<1250x16xf32> -> vector<1250x16xf32>
    %concatenate3A = tpu.concatenate %dot_general3A_7, %dot_general3A_14, %dot_general3A_21, %dot_general3A_28, %dot_general3A_35, %dot_general3A_42, %dot_general3A_49, %dot_general3A_56 in 1 : vector<1250x16xf32>, vector<1250x16xf32>, vector<1250x16xf32>, vector<1250x16xf32>, vector<1250x16xf32>, vector<1250x16xf32>, vector<1250x16xf32>, vector<1250x16xf32> -> vector<1250x128xf32>
    %swap3A = arith.constant 0 : index
    %swap3A_57 = arith.constant 0 : index
    %swap3A_58 = vector.load %arg2[%swap3A, %swap3A_57] : memref<1250x128xf32, #tpu.memory_space<vmem>>, vector<1250x128xf32>
    tpu.vector_store %arg2[%swap3A, %swap3A_57], %concatenate3A {strides = array<i32>} : memref<1250x128xf32, #tpu.memory_space<vmem>>, vector<1250x128xf32>,
    return
  }
}

module attributes {stable_mosaic.version = 14 : i64} {
  func.func @_lin2_body(%arg0: memref<2x1264x128xf32, #tpu.memory_space<vmem>>, %arg1: memref<1264x128xf32, #tpu.memory_space<vmem>>, %arg2: memref<1264x128xf32, #tpu.memory_space<vmem>>, %arg3: memref<128x128xf32, #tpu.memory_space<vmem>>, %arg4: memref<1264x128xf32, #tpu.memory_space<vmem>>) attributes {dimension_semantics = [], scalar_prefetch = 0 : i64, scratch_operands = 0 : i64, tpu.core_type = #tpu.core_type<tc>} {
    %get3A = arith.constant 0 : index
    %get3A_0 = arith.constant 0 : index
    %get3A_1 = vector.load %arg2[%get3A, %get3A_0] : memref<1264x128xf32, #tpu.memory_space<vmem>>, vector<1264x128xf32>
    %get3A_2 = arith.constant 0 : index
    %get3A_3 = arith.constant 0 : index
    %get3A_4 = arith.constant 0 : index
    %get3A_5 = vector.load %arg0[%get3A_2, %get3A_3, %get3A_4] : memref<2x1264x128xf32, #tpu.memory_space<vmem>>, vector<1x1264x128xf32>
    %get3A_6 = vector.shape_cast %get3A_5 : vector<1x1264x128xf32> to vector<1264x128xf32>
    %get3A_7 = arith.constant 1 : index
    %get3A_8 = arith.constant 0 : index
    %get3A_9 = arith.constant 0 : index
    %get3A_10 = vector.load %arg0[%get3A_7, %get3A_8, %get3A_9] : memref<2x1264x128xf32, #tpu.memory_space<vmem>>, vector<1x1264x128xf32>
    %get3A_11 = vector.shape_cast %get3A_10 : vector<1x1264x128xf32> to vector<1264x128xf32>
    %add3A = arith.addf %get3A_6, %get3A_11 : vector<1264x128xf32>
    %get3A_12 = arith.constant 0 : index
    %get3A_13 = arith.constant 0 : index
    %get3A_14 = vector.load %arg1[%get3A_12, %get3A_13] : memref<1264x128xf32, #tpu.memory_space<vmem>>, vector<1264x128xf32>
    %add3A_15 = arith.addf %add3A, %get3A_14 : vector<1264x128xf32>
    %mul3A = arith.mulf %get3A_1, %add3A_15 : vector<1264x128xf32>
    %max3A = arith.constant 0.000000e+00 : f32
    %max3A_16 = vector.broadcast %max3A : f32 to vector<1264x128xf32>
    %max3A_17 = arith.maximumf %mul3A, %max3A_16 : vector<1264x128xf32>
    %get3A_18 = arith.constant 0 : index
    %get3A_19 = arith.constant 0 : index
    %get3A_20 = vector.load %arg3[%get3A_18, %get3A_19] : memref<128x128xf32, #tpu.memory_space<vmem>>, vector<128x128xf32>
    %dot_general3A = arith.constant dense<0.000000e+00> : vector<1264x128xf32>
    %dot_general3A_21 = tpu.matmul %max3A_17, %get3A_20, %dot_general3A {dimension_numbers = #tpu.dot_dimension_numbers<[1], [0], [0], [1], [0, 0, 1, 1], [], []>, transpose_lhs_hint = false} : vector<1264x128xf32>, vector<128x128xf32>, vector<1264x128xf32> -> vector<1264x128xf32>
    %mul3A_22 = arith.mulf %dot_general3A_21, %get3A_1 : vector<1264x128xf32>
    %swap3A = arith.constant 0 : index
    %swap3A_23 = arith.constant 0 : index
    %swap3A_24 = vector.load %arg4[%swap3A, %swap3A_23] : memref<1264x128xf32, #tpu.memory_space<vmem>>, vector<1264x128xf32>
    tpu.vector_store %arg4[%swap3A, %swap3A_23], %mul3A_22 {strides = array<i32>} : memref<1264x128xf32, #tpu.memory_space<vmem>>, vector<1264x128xf32>,
    return
  }
}

module attributes {stable_mosaic.version = 14 : i64} {
  func.func @_fin_body(%arg0: memref<2x1264x128xf32, #tpu.memory_space<vmem>>, %arg1: memref<1264x128xf32, #tpu.memory_space<vmem>>, %arg2: memref<1264x128xf32, #tpu.memory_space<vmem>>, %arg3: memref<1250x128xf32, #tpu.memory_space<vmem>>) attributes {dimension_semantics = [], scalar_prefetch = 0 : i64, scratch_operands = 0 : i64, tpu.core_type = #tpu.core_type<tc>} {
    %get3A = arith.constant 0 : index
    %get3A_0 = arith.constant 0 : index
    %get3A_1 = vector.load %arg2[%get3A, %get3A_0] : memref<1264x128xf32, #tpu.memory_space<vmem>>, vector<1250x128xf32>
    %get3A_2 = arith.constant 0 : index
    %get3A_3 = arith.constant 0 : index
    %get3A_4 = arith.constant 0 : index
    %get3A_5 = vector.load %arg0[%get3A_2, %get3A_3, %get3A_4] : memref<2x1264x128xf32, #tpu.memory_space<vmem>>, vector<1x1250x128xf32>
    %get3A_6 = vector.shape_cast %get3A_5 : vector<1x1250x128xf32> to vector<1250x128xf32>
    %get3A_7 = arith.constant 1 : index
    %get3A_8 = arith.constant 0 : index
    %get3A_9 = arith.constant 0 : index
    %get3A_10 = vector.load %arg0[%get3A_7, %get3A_8, %get3A_9] : memref<2x1264x128xf32, #tpu.memory_space<vmem>>, vector<1x1250x128xf32>
    %get3A_11 = vector.shape_cast %get3A_10 : vector<1x1250x128xf32> to vector<1250x128xf32>
    %add3A = arith.addf %get3A_6, %get3A_11 : vector<1250x128xf32>
    %get3A_12 = arith.constant 0 : index
    %get3A_13 = arith.constant 0 : index
    %get3A_14 = vector.load %arg1[%get3A_12, %get3A_13] : memref<1264x128xf32, #tpu.memory_space<vmem>>, vector<1250x128xf32>
    %add3A_15 = arith.addf %add3A, %get3A_14 : vector<1250x128xf32>
    %mul3A = arith.mulf %get3A_1, %add3A_15 : vector<1250x128xf32>
    %iota3A = tpu.iota {dimensions = array<i32: 1>} : vector<1250x128xi32>
    %jit3A = arith.constant 16 : i32
    %eq3A = arith.constant 0 : i32
    %eq3A_16 = arith.cmpi eq, %jit3A, %eq3A : i32
    %jit3A_17 = arith.constant 1 : i32
    %select_n3A = arith.select %eq3A_16, %jit3A_17, %jit3A : i32
    %rem3A = vector.broadcast %select_n3A : i32 to vector<1250x128xi32>
    %rem3A_18 = arith.remsi %iota3A, %rem3A : vector<1250x128xi32>
    %ne3A = arith.constant 0 : i32
    %ne3A_19 = vector.broadcast %ne3A : i32 to vector<1250x128xi32>
    %ne3A_20 = arith.cmpi ne, %rem3A_18, %ne3A_19 : vector<1250x128xi32>
    %lt3A = arith.constant 0 : i32
    %lt3A_21 = vector.broadcast %lt3A : i32 to vector<1250x128xi32>
    %lt3A_22 = arith.cmpi slt, %rem3A_18, %lt3A_21 : vector<1250x128xi32>
    %lt3A_23 = arith.constant 0 : i32
    %lt3A_24 = arith.cmpi slt, %select_n3A, %lt3A_23 : i32
    %ne3A_25 = vector.broadcast %lt3A_24 : i1 to vector<1250x128xi1>
    %ne3A_26 = vector.broadcast %ne3A_25 : vector<1250x128xi1> to vector<1250x128xi1>
    %ne3A_27 = arith.xori %lt3A_22, %ne3A_26 : vector<1250x128xi1>
    %and3A = arith.andi %ne3A_27, %ne3A_20 : vector<1250x128xi1>
    %add3A_28 = vector.broadcast %select_n3A : i32 to vector<1250x128xi32>
    %add3A_29 = arith.addi %rem3A_18, %add3A_28 : vector<1250x128xi32>
    %select_n3A_30 = arith.select %and3A, %add3A_29, %rem3A_18 : vector<1250x128xi1>, vector<1250x128xi32>
    %lt3A_31 = arith.constant 7 : i32
    %lt3A_32 = vector.broadcast %lt3A_31 : i32 to vector<1250x128xi32>
    %lt3A_33 = arith.cmpi slt, %select_n3A_30, %lt3A_32 : vector<1250x128xi32>
    %jit3A_34 = arith.constant -1.000000e+30 : f32
    %broadcast_in_dim3A = vector.broadcast %jit3A_34 : f32 to vector<1250x128xf32>
    %select_n3A_35 = arith.select %lt3A_33, %mul3A, %broadcast_in_dim3A : vector<1250x128xi1>, vector<1250x128xf32>
    %reduce_max3A = arith.constant dense<0xFF800000> : vector<1250xf32>
    %reduce_max3A_36 = vector.multi_reduction <maximumf>, %select_n3A_35, %reduce_max3A [1] : vector<1250x128xf32> to vector<1250xf32>
    %broadcast_in_dim3A_37 = vector.shape_cast %reduce_max3A_36 : vector<1250xf32> to vector<1250x1xf32>
    %sub3A = vector.broadcast %broadcast_in_dim3A_37 : vector<1250x1xf32> to vector<1250x128xf32>
    %sub3A_38 = arith.subf %select_n3A_35, %sub3A : vector<1250x128xf32>
    %exp3A = math.exp %sub3A_38 : vector<1250x128xf32>
    %iota3A_39 = tpu.iota {dimensions = array<i32: 0>} : vector<128x128xi32>
    %iota3A_40 = tpu.iota {dimensions = array<i32: 1>} : vector<128x128xi32>
    %jit3A_41 = arith.constant 16 : i32
    %div3A = vector.broadcast %jit3A_41 : i32 to vector<128x128xi32>
    %div3A_42 = arith.divsi %iota3A_39, %div3A : vector<128x128xi32>
    %sign3A = arith.constant 0 : i32
    %sign3A_43 = vector.broadcast %sign3A : i32 to vector<128x128xi32>
    %sign3A_44 = arith.cmpi sgt, %iota3A_39, %sign3A_43 : vector<128x128xi32>
    %sign3A_45 = arith.extui %sign3A_44 : vector<128x128xi1> to vector<128x128xi32>
    %sign3A_46 = arith.constant 0 : i32
    %sign3A_47 = vector.broadcast %sign3A_46 : i32 to vector<128x128xi32>
    %sign3A_48 = arith.cmpi slt, %iota3A_39, %sign3A_47 : vector<128x128xi32>
    %sign3A_49 = arith.extui %sign3A_48 : vector<128x128xi1> to vector<128x128xi32>
    %sign3A_50 = arith.subi %sign3A_45, %sign3A_49 : vector<128x128xi32>
    %sign3A_51 = arith.constant 0 : i32
    %sign3A_52 = arith.cmpi sgt, %jit3A_41, %sign3A_51 : i32
    %sign3A_53 = arith.extui %sign3A_52 : i1 to i32
    %sign3A_54 = arith.constant 0 : i32
    %sign3A_55 = arith.cmpi slt, %jit3A_41, %sign3A_54 : i32
    %sign3A_56 = arith.extui %sign3A_55 : i1 to i32
    %sign3A_57 = arith.subi %sign3A_53, %sign3A_56 : i32
    %ne3A_58 = vector.broadcast %sign3A_57 : i32 to vector<128x128xi32>
    %ne3A_59 = arith.cmpi ne, %sign3A_50, %ne3A_58 : vector<128x128xi32>
    %rem3A_60 = vector.broadcast %jit3A_41 : i32 to vector<128x128xi32>
    %rem3A_61 = arith.remsi %iota3A_39, %rem3A_60 : vector<128x128xi32>
    %ne3A_62 = arith.constant 0 : i32
    %ne3A_63 = vector.broadcast %ne3A_62 : i32 to vector<128x128xi32>
    %ne3A_64 = arith.cmpi ne, %rem3A_61, %ne3A_63 : vector<128x128xi32>
    %and3A_65 = arith.andi %ne3A_59, %ne3A_64 : vector<128x128xi1>
    %sub3A_66 = arith.constant 1 : i32
    %sub3A_67 = vector.broadcast %sub3A_66 : i32 to vector<128x128xi32>
    %sub3A_68 = arith.subi %div3A_42, %sub3A_67 : vector<128x128xi32>
    %select_n3A_69 = arith.select %and3A_65, %sub3A_68, %div3A_42 : vector<128x128xi1>, vector<128x128xi32>
    %jit3A_70 = arith.constant 16 : i32
    %div3A_71 = vector.broadcast %jit3A_70 : i32 to vector<128x128xi32>
    %div3A_72 = arith.divsi %iota3A_40, %div3A_71 : vector<128x128xi32>
    %sign3A_73 = arith.constant 0 : i32
    %sign3A_74 = vector.broadcast %sign3A_73 : i32 to vector<128x128xi32>
    %sign3A_75 = arith.cmpi sgt, %iota3A_40, %sign3A_74 : vector<128x128xi32>
    %sign3A_76 = arith.extui %sign3A_75 : vector<128x128xi1> to vector<128x128xi32>
    %sign3A_77 = arith.constant 0 : i32
    %sign3A_78 = vector.broadcast %sign3A_77 : i32 to vector<128x128xi32>
    %sign3A_79 = arith.cmpi slt, %iota3A_40, %sign3A_78 : vector<128x128xi32>
    %sign3A_80 = arith.extui %sign3A_79 : vector<128x128xi1> to vector<128x128xi32>
    %sign3A_81 = arith.subi %sign3A_76, %sign3A_80 : vector<128x128xi32>
    %sign3A_82 = arith.constant 0 : i32
    %sign3A_83 = arith.cmpi sgt, %jit3A_70, %sign3A_82 : i32
    %sign3A_84 = arith.extui %sign3A_83 : i1 to i32
    %sign3A_85 = arith.constant 0 : i32
    %sign3A_86 = arith.cmpi slt, %jit3A_70, %sign3A_85 : i32
    %sign3A_87 = arith.extui %sign3A_86 : i1 to i32
    %sign3A_88 = arith.subi %sign3A_84, %sign3A_87 : i32
    %ne3A_89 = vector.broadcast %sign3A_88 : i32 to vector<128x128xi32>
    %ne3A_90 = arith.cmpi ne, %sign3A_81, %ne3A_89 : vector<128x128xi32>
    %rem3A_91 = vector.broadcast %jit3A_70 : i32 to vector<128x128xi32>
    %rem3A_92 = arith.remsi %iota3A_40, %rem3A_91 : vector<128x128xi32>
    %ne3A_93 = arith.constant 0 : i32
    %ne3A_94 = vector.broadcast %ne3A_93 : i32 to vector<128x128xi32>
    %ne3A_95 = arith.cmpi ne, %rem3A_92, %ne3A_94 : vector<128x128xi32>
    %and3A_96 = arith.andi %ne3A_90, %ne3A_95 : vector<128x128xi1>
    %sub3A_97 = arith.constant 1 : i32
    %sub3A_98 = vector.broadcast %sub3A_97 : i32 to vector<128x128xi32>
    %sub3A_99 = arith.subi %div3A_72, %sub3A_98 : vector<128x128xi32>
    %select_n3A_100 = arith.select %and3A_96, %sub3A_99, %div3A_72 : vector<128x128xi1>, vector<128x128xi32>
    %eq3A_101 = arith.cmpi eq, %select_n3A_69, %select_n3A_100 : vector<128x128xi32>
    %convert_element_type3A = arith.extui %eq3A_101 : vector<128x128xi1> to vector<128x128xi32>
    %convert_element_type3A_102 = arith.sitofp %convert_element_type3A : vector<128x128xi32> to vector<128x128xf32>
    %dot_general3A = arith.constant dense<0.000000e+00> : vector<1250x128xf32>
    %dot_general3A_103 = tpu.matmul %exp3A, %convert_element_type3A_102, %dot_general3A {dimension_numbers = #tpu.dot_dimension_numbers<[1], [0], [0], [1], [0, 0, 1, 1], [], []>, precision = #tpu.contract_precision<fp32>, transpose_lhs_hint = false} : vector<1250x128xf32>, vector<128x128xf32>, vector<1250x128xf32> -> vector<1250x128xf32>
    %log3A = math.log %dot_general3A_103 : vector<1250x128xf32>
    %add3A_104 = vector.broadcast %broadcast_in_dim3A_37 : vector<1250x1xf32> to vector<1250x128xf32>
    %add3A_105 = arith.addf %log3A, %add3A_104 : vector<1250x128xf32>
    %sub3A_106 = arith.subf %mul3A, %add3A_105 : vector<1250x128xf32>
    %swap3A = arith.constant 0 : index
    %swap3A_107 = arith.constant 0 : index
    %swap3A_108 = vector.load %arg3[%swap3A, %swap3A_107] : memref<1250x128xf32, #tpu.memory_space<vmem>>, vector<1250x128xf32>
    tpu.vector_store %arg3[%swap3A, %swap3A_107], %sub3A_106 {strides = array<i32>} : memref<1250x128xf32, #tpu.memory_space<vmem>>, vector<1250x128xf32>,
    return
  }
}

</mosaic_0001>

<sc_bundles>
// kernel: kernel.12.cloned.1.call-start
scs
__scs_entry_jumppad:
0x0: {  	(pc) =	sbr.rel $0x88, $3  }
0x1: {  	(tag) =	ssettag $0x0;
	lr =	simm.s32 $0x1  }
0x2: {  	[smem:$0x3F9D] =	sst lr;
	_ =	strace $0xD0000000  }
0x3: {  	_ = 	snop  }
0x4: {  	_ = 	snop  }
0x5: {  	_ = 	snop  }
0x6: {  	_ = 	snop  }
0x7: {  	_ = 	snop  }
__scs_overlays_trampoline_lowered:
0x8: {  	[smem:$0x3FAC] =	sst s0  }
0x9: {  	[smem:$0x3FAD] =	sst s1  }
0xa: {  	[smem:$0x3FAE] =	sst s2  }
0xb: {  	[smem:$0x3FAF] =	sst s3  }
0xc: {  	[smem:$0x3FB0] =	sst s4  }
0xd: {  	[smem:$0x3FB1] =	sst s5  }
0xe: {  	[smem:$0x3FB2] =	sst s6  }
0xf: {  	[smem:$0x3FB3] =	sst s7  }
0x10: {  	[smem:$0x3FB4] =	sst s8  }
0x11: {  	[smem:$0x3FB5] =	sst s9;
	s0 =	simm.s32 @!p0 $0x0  }
0x12: {  	s1 =	sld [smem:$0x3F9B];
	s0 =	simm.s32 @p0 $0x1  }
0x13: {  	[smem:$0x3FB6] =	sst s0;
	s0 =	simm.s32 @!p1 $0x0  }
0x14: {  	s2 =	sld [smem:$0x3F9A];
	s0 =	simm.s32 @p1 $0x1  }
0x15: {  	[smem:$0x3FB7] =	sst s0;
	s0 =	simm.s32 @!p2 $0x0  }
0x16: {  	s3 =	sld [smem:$0x3FDB];
	s0 =	simm.s32 @p2 $0x1  }
0x17: {  	s4 =	simm.s32 $0x1BF5;
	[smem:$0x3FB9] =	sst s0  }
0x18: {  	s0 =	sld [smem:$0x3F9C];
	_ =	swait.ge [sflag:s4], $0x0  }
0x19: {  	s7 =	sld [smem:$0x3F9D]  }
0x1a: {  	s8 =	sadd.s32 $0xFFFFE003, lr  }
0x1b: {  	s9 =	sadd.s32 $0xFFFFFEF7, lr;
	s5 =	simm.s32 $0xFFFFFFFF;
	p2 =	slt.u32 s8, $0xFFFFF086  }
0x1c: {  	p1 =	slt.u32 s9, $0xF7A;
	s5 =	simm.s32 @!p2 $0x0  }
0x1d: {  	s5 =	simm.s32 @p1 $0x1;
	p0 =	seq.s32 s7, s2  }
0x1e: {  	s7 =	smul.u32 @!p0 $0xF7A, s2;
	p2 =	seq.s32 @!p0 s5, $0x0  }
0x1f: {  	s9 =	smul.u32 $0xF7A, s1;
	s8 =	simm.s32 @!p0 $0x1BF5;
	p2 =	por !p2, p0  }
0x20: {  	[sflag:s8] =	ssyncset.s32 @!p0 $0xFFFFF086;
	s6 =	sadd.s32 @!p0 s3, s7;
	s7 =	simm.s32 @!p0 $0x108  }
0x21: {  	s3 =	sadd.s32 s3, s9;
	s6 =	sadd.s32 @!p0 $0x88, s6;
	s7 =	simm.s32 @p2 $0x1082  }
0x22: {  	[simem:s7], [sflag:s8] =	dma.local @!p0 [hbm:s6], $0xF7A  }
0x23: {  	s9 =	sor.u32 $0xD0000000, s2;
	s6 =	simm.s32 $0x108;
	_ =	swait.ge @!p0 [sflag:s8], $0x0  }
0x24: {  	s3 =	sadd.s32 $0x88, s3;
	s6 =	simm.s32 @!p1 $0x1082;
	[sflag:s4] =	ssyncset.s32 $0xFFFFF086  }
0x25: {  	[simem:s6], [sflag:s4] =	dma.local [hbm:s3], $0xF7A  }
0x26: {  	[smem:$0x3F9D] =	sst s1;
	(tag) =	ssettag s2;
	_ =	strace s9  }
0x27: {  	s1 =	sld [smem:$0x3FAD]  }
0x28: {  	s2 =	sld [smem:$0x3FAE]  }
0x29: {  	s4 =	sld [smem:$0x3FB0]  }
0x2a: {  	p0 =	seq.s32 s5, $0x0;
	s5 =	sld [smem:$0x3FB1]  }
0x2b: {  	s6 =	sld [smem:$0x3FB2]  }
0x2c: {  	s7 =	sld [smem:$0x3FB3]  }
0x2d: {  	s3 =	simm.s32 $0x108;
	s8 =	sld [smem:$0x3FB4]  }
0x2e: {  	s3 =	simm.s32 @!p0 $0x1082;
	s9 =	sld [smem:$0x3FB5]  }
0x2f: {  	lr =	sadd.s32 s0, s3;
	s0 =	sld [smem:$0x3FAC]  }
0x30: {  	s3 =	sld [smem:$0x3FAF]  }
0x31: {  	[smem:$0x3FB8] =	sst s10  }
0x32: {  	s10 =	sld [smem:$0x3FB6];
	_ =	sdelay $0x3  }
0x33: {  	p0 =	seq.s32 s10, $0x1;
	s10 =	sld [smem:$0x3FB8];
	_ =	sdelay $0x3  }
0x34: {  	[smem:$0x3FB8] =	sst s10  }
0x35: {  	s10 =	sld [smem:$0x3FB7];
	_ =	sdelay $0x3  }
0x36: {  	p1 =	seq.s32 s10, $0x1;
	s10 =	sld [smem:$0x3FB8];
	_ =	sdelay $0x3  }
0x37: {  	[smem:$0x3FB8] =	sst s10  }
0x38: {  	s10 =	sld [smem:$0x3FB9]  }
0x39: {  	_ = 	snop;
	(pc) =	sbr.ind lr, $3  }
0x3a: {  	_ = 	snop  }
0x3b: {  	_ = 	snop  }
0x3c: {  	p2 =	seq.s32 s10, $0x1;
	s10 =	sld [smem:$0x3FB8]  }
0x3d: {  	_ =	shalt  }
0x3e: {  	_ =	shalt  }
0x3f: {  	_ =	shalt  }
0x40: {  	_ =	shalt  }
0x41: {  	_ =	shalt  }
0x42: {  	_ =	shalt  }
0x43: {  	_ =	shalt  }
0x44: {  	_ =	shalt  }
0x45: {  	_ =	shalt  }
0x46: {  	_ =	shalt  }
0x47: {  	_ =	shalt  }
0x48: {  	_ =	shalt  }
0x49: {  	_ =	shalt  }
0x4a: {  	_ =	shalt  }
0x4b: {  	_ =	shalt  }
0x4c: {  	_ =	shalt  }
0x4d: {  	_ =	shalt  }
0x4e: {  	_ =	shalt  }
0x4f: {  	_ =	shalt  }
0x50: {  	_ =	shalt  }
0x51: {  	_ =	shalt  }
0x52: {  	_ =	shalt  }
0x53: {  	_ =	shalt  }
0x54: {  	_ =	shalt  }
0x55: {  	_ =	shalt  }
0x56: {  	_ =	shalt  }
0x57: {  	_ =	shalt  }
0x58: {  	_ =	shalt  }
0x59: {  	_ =	shalt  }
0x5a: {  	_ =	shalt  }
0x5b: {  	_ =	shalt  }
0x5c: {  	_ =	shalt  }
0x5d: {  	_ =	shalt  }
0x5e: {  	_ =	shalt  }
0x5f: {  	_ =	shalt  }
0x60: {  	_ =	shalt  }
0x61: {  	_ =	shalt  }
0x62: {  	_ =	shalt  }
0x63: {  	_ =	shalt  }
0x64: {  	_ =	shalt  }
0x65: {  	_ =	shalt  }
0x66: {  	_ =	shalt  }
0x67: {  	_ =	shalt  }
0x68: {  	_ =	shalt  }
0x69: {  	_ =	shalt  }
0x6a: {  	_ =	shalt  }
0x6b: {  	_ =	shalt  }
0x6c: {  	_ =	shalt  }
0x6d: {  	_ =	shalt  }
0x6e: {  	_ =	shalt  }
0x6f: {  	_ =	shalt  }
0x70: {  	_ =	shalt  }
0x71: {  	_ =	shalt  }
0x72: {  	_ =	shalt  }
0x73: {  	_ =	shalt  }
0x74: {  	_ =	shalt  }
0x75: {  	_ =	shalt  }
0x76: {  	_ =	shalt  }
0x77: {  	_ =	shalt  }
0x78: {  	_ =	shalt  }
0x79: {  	_ =	shalt  }
0x7a: {  	_ =	shalt  }
0x7b: {  	_ =	shalt  }
0x7c: {  	_ =	shalt  }
0x7d: {  	_ =	shalt  }
0x7e: {  	_ =	shalt  }
0x7f: {  	_ =	shalt  }
0x80: {  	_ =	shalt  }
0x81: {  	_ =	shalt  }
0x82: {  	_ =	shalt  }
0x83: {  	_ =	shalt  }
0x84: {  	_ =	shalt  }
0x85: {  	_ =	shalt  }
0x86: {  	_ =	shalt  }
0x87: {  	_ =	shalt  }
.Lfunc_end0:
.L_simem_size_0:
called_computation.1_lowered:
.L_overlay_start_0:
0x88: {  	s2 =	sld [smem:$0x3FD9]  }
0x89: {  	s3 =	sld [smem:$0x3FFE];
	_ =	sdelay $0x1  }
0x8a: {  	s1 =	srdreg.scid  }
0x8b: {  	s0 =	sand.u32 $0x1, s1  }
0x8c: {  	s17 =	sshll.u32 s0, $0xA;
	s2 =	sadd.s32 s3, s2  }
0x8d: {  	s2 =	sadd.s32 s2, s17  }
0x8e: {  	[smem:$0x3FC4] =	sst s2  }
0x8f: {  	_ = 	snop  }
0x90: {  	s2 =	sld [smem:$0x3FD0];
	(tm) =	ssettm $0x1  }
0x91: {  	s18 =	sld [smem:$0x3FFB];
	_ =	sdelay $0x3  }
0x92: {  	_ =	strace s18  }
0x93: {  	s3 =	sld [smem:$0x3FFC];
	_ =	sdelay $0x3  }
0x94: {  	_ =	strace s3  }
0x95: {  	s3 =	sld [smem:$0x3FFD];
	_ =	sdelay $0x3  }
0x96: {  	_ =	strace s3  }
0x97: {  	_ =	strace $0x8FFFFFFF  }
0x98: {  	s19 =	sld [smem:$0x3FDB];
	_ =	sdelay $0x1  }
0x99: {  	s4 =	simm.s32 $_scs_section_size  }
0x9a: {  	s5 =	simm.s32 $_size__tile_overlayer_lowered;
	s6 =	simm.s32 $_tile_overlayer_lowered  }
0x9b: {  	s22 =	simm.s32 $0x1BFF;
	s21 =	sshll.u32 s6, $0x1;
	s3 =	sadd.s32 s4, s19  }
0x9c: {  	s7 =	simm.s32 $0x0;
	s20 =	sshll.u32 s5, $0x1;
	s5 =	sadd.s32 s21, s3  }
0x9d: {  	[timem:s7], [sflag:s22] =	dma.local [hbm:s5], s20  }
0x9e: {  	_ =	swait.ge [sflag:s22], s20  }
0x9f: {  	s4 =	ssub.s32 $0x0, s20;
	[sflag:s22] =	ssyncset.done $0x0  }
0xa0: {  	[sflag:s22] =	ssyncadd.s32 s4;
	_ =	sdelay $0x1  }
0xa1: {  	s23 =	simm.s32 $0x1B8B  }
0xa2: {  	_ =	swait.ge [sflag:s23], $0x1  }
0xa3: {  	[sflag:s23] =	ssyncset.done $0x0  }
0xa4: {  	s25 =	simm.s32 $0x1B8E;
	s24 =	sld [smem:$0x3FFE];
	[sflag:s23] =	ssyncadd.s32 $0xFFFFFFFF  }
0xa5: {  	s26 =	simm.s32 $execute0_lowered;
	[smem:$0x3FD2] =	sst s25  }
0xa6: {  	s5 =	sshll.u32 s26, $0x1;
	_ =	strace $0x80000049;
	[dreg:$0x1] =	wrdreg $0xFFFFFFFF  }
0xa7: {  	s28 =	simm.s32 $_size_execute0_lowered;
	s3 =	sadd.s32 s3, s5;
	[dreg:$0x0] =	wrdreg $0x0  }
0xa8: {  	s5 =	sshll.u32 s28, $0x1;
	[dreg:$0x2] =	wrdreg s3  }
0xa9: {  	[dreg:$0x3] =	wrdreg s5  }
0xaa: {  	[dreg:$0x4] =	wrdreg $0xC0  }
0xab: {  	_ =	task [dreg:s7], $0x5FFFF  }
0xac: {  	[dreg:$0x1] =	wrdreg $0xFFFFFFFF  }
0xad: {  	[dreg:$0x0] =	wrdreg $0x60  }
0xae: {  	[dreg:$0x2] =	wrdreg s24  }
0xaf: {  	[dreg:$0x3] =	wrdreg s2  }
0xb0: {  	[dreg:$0x4] =	wrdreg $0x14E200  }
0xb1: {  	[dreg:$0x5] =	wrdreg $0x9  }
0xb2: {  	_ =	task.clear_ibuf [dreg:s7], $0x6FFFF;
	_ =	strace $0x90000049  }
0xb3: {  	s29 =	simm.s32 $0x9;
	_ =	strace $0x8000004B  }
0xb4: {  	_ =	swait.ge [sflag:s29], $0x1  }
0xb5: {  	[sflag:s29] =	ssyncadd.s32 $0xFFFFFFFF  }
0xb6: {  	_ =	strace $0x9000004B  }
0xb7: {  	_ =	sfence  }
0xb8: {  	s30 =	sld [smem:$0x0];
	_ =	sdelay $0x2  }
0xb9: {  	s31 =	sshll.u32 s1, $0xD;
	s1 =	sshrl.u32 s1, $0x2  }
0xba: {  	s3 =	sand.u32 $0x4000, s31;
	s1 =	sadd.s32 s1, s30  }
0xbb: {  	s0 =	sor.u32 s3, s0;
	s1 =	sshll.u32 s1, $0x11  }
0xbc: {  	s0 =	sor.u32 s1, s0  }
0xbd: {  	s0 =	sadd.s32 $0x8F2B, s0  }
0xbe: {  	[sflag:s0] =	ssyncadd.remote.s32 $0x1  }
0xbf: {  	_ =	sfence.sel $0xFFFF  }
0xc0: {  	[dreg:$0x0] =	wrdreg $0xFFFFFFFF;
	(pc) =	sbr.abs _section_cstart, $3  }
0xc1: {  	[dreg:$0x1] =	wrdreg $0xFFFFFFFF  }
0xc2: {  	_ =	task.clear_ibuf [dreg:s7], $0x2FFFF;
	_ =	strace $0x9FFFFFFF  }
0xc3: {  	(tm) =	ssettm $0x7FFFFFFF  }
tec
execute0_lowered:
.L_overlay_start_1:
0x0: {  	(tag) =	ssettag $0x1  }
0x1: {  	s0 =	srdreg.scid;
	s1 =	rddreg [dreg:$0x0]  }
0x2: {  	s9 =	stileid.u32;
	s3 =	rddreg [dreg:$0x2];
	s4 =	simm.s32 $0x0  }
0x3: {  	s12 =	simm.s32 $0x3;
	s13 =	simm.s32 $0x80;
	s14 =	simm.s32 $0x4E20  }
0x4: {  	s17 =	simm.s32 $0x600;
	s18 =	simm.s32 $0xAE20;
	s19 =	simm.s32 $0x680  }
0x5: {  	s20 =	simm.s32 $0xB620;
	s21 =	simm.s32 $0x700;
	s22 =	simm.s32 $0xBE20  }
0x6: {  	s23 =	simm.s32 $0x780;
	s24 =	simm.s32 $0xC620;
	s25 =	simm.s32 $0x1  }
0x7: {  	s28 =	simm.s32 $0x10;
	s29 =	simm.s32 $0x2700;
	s30 =	simm.s32 $0x4E10  }
0x8: {  	s31 =	simm.s32 $0x0;
	s0 =	sand.u32 $0x1, s0;
	s2 =	sshll.u32 s9, $0x1  }
0x9: {  	s6 =	smul.u32 $0x2780, s9;
	[smem:$0x7FF] =	sst s4;
	s5 =	sadd.s32 $0x16200, s1  }
0xa: {  	s26 =	sshll.u32 s9, $0x6;
	s2 =	sor.u32 s0, s2;
	s7 =	smul.u32 $0x27800, s0  }
0xb: {  	_ =	strace $0x8000004A;
	s0 =	ssub.s32 $0x2, s0;
	s2 =	smul.u32 $0x2710, s2  }
0xc: {  	s8 =	sshrl.u32 s0, $0x1;
	s11 =	sadd.s32 s6, s3;
	s7 =	sadd.s32 s6, s7  }
0xd: {  	s0 =	ssub.s32 s0, s8;
	s6 =	sor.u32 $0x1C03, s26;
	s11 =	sshrl.u32 s11, $0x3  }
0xe: {  	s26 =	simm.s32 $0x2;
	s2 =	sshrl.u32 s2, $0x3;
	s7 =	sshrl.u32 s7, $0x3  }
0xf: {  	s10 =	smax.u32 s0, $0x1;
	s2 =	sadd.s32 s2, s1;
	s1 =	sadd.s32 s7, s1  }
0x10: {  	s7 =	sadd.s32 $0x2800, s2;
	s8 =	sadd.s32 $0xC440, s2;
	s9 =	sadd.s32 $0x1B200, s1  }
.LBB2_1:
0x11: {  	s0 =	rddreg [dreg:$0x1]  }
0x12: {  	[spmem:s11], [sflag:s6] =	dma.local [hbm:s0], $0x4F0  }
0x13: {  	_ =	swait.ge [sflag:s12], $0x4F0  }
0x14: {  	[sflag:s12] =	ssyncset.done $0x0  }
0x15: {  	[sflag:s12] =	ssyncadd.s32 $0xFFFFFB10  }
0x16: {  	[tilespmem:s4], [sflag:$0x3] =	stream.linear.gather [hbm4b:s7+s4], $0x2710, $0x38;
	[tilespmem:$0x175A0] =	vst v63  }
0x17: {  	_ =	swait.ge [sflag:s12], $0x2710  }
0x18: {  	[sflag:s12] =	ssyncset.done $0x0  }
0x19: {  	s1 =	simm.s32 $0x2710;
	[sflag:s12] =	ssyncadd.s32 $0xFFFFD8F0  }
0x1a: {  	[tilespmem:s1], [sflag:$0x3] =	stream.linear.gather [hbm4b:s8+s4], $0x2710, $0x38;
	[tilespmem:$0x175A0] =	vst v63  }
0x1b: {  	_ =	swait.ge [sflag:s12], $0x2710  }
0x1c: {  	[sflag:s12] =	ssyncset.done $0x0  }
0x1d: {  	[sflag:s12] =	ssyncadd.s32 $0xFFFFD8F0  }
0x1e: {  	[bflag:$0x0] =	sbarrier.arrive $0xFFFF  }
0x1f: {  	[tilespmem:s14], [sflag:$0x1] =	stream.indirect.gather [hbm4b:s5+s13], $0x10, s4, s13, $0xb8;
	[tilespmem:$0x175A0] =	vst v63  }
0x20: {  	s15 =	simm.s32 $0x5620  }
0x21: {  	[tilespmem:s15], [sflag:$0x1] =	stream.indirect.gather [hbm4b:s5+s13], $0x10, s13, s13, $0xb8;
	[tilespmem:$0x175A0] =	vst v63  }
0x22: {  	s16 =	simm.s32 $0x100;
	s2 =	simm.s32 $0x5E20  }
0x23: {  	[tilespmem:s2], [sflag:$0x1] =	stream.indirect.gather [hbm4b:s5+s13], $0x10, s16, s13, $0xb8;
	[tilespmem:$0x175A0] =	vst v63  }
0x24: {  	s15 =	simm.s32 $0x180;
	s16 =	simm.s32 $0x6620  }
0x25: {  	[tilespmem:s16], [sflag:$0x1] =	stream.indirect.gather [hbm4b:s5+s13], $0x10, s15, s13, $0xb8;
	[tilespmem:$0x175A0] =	vst v63  }
0x26: {  	s15 =	simm.s32 $0x200;
	s16 =	simm.s32 $0x6E20  }
0x27: {  	[tilespmem:s16], [sflag:$0x1] =	stream.indirect.gather [hbm4b:s5+s13], $0x10, s15, s13, $0xb8;
	[tilespmem:$0x175A0] =	vst v63  }
0x28: {  	s15 =	simm.s32 $0x280;
	s16 =	simm.s32 $0x7620  }
0x29: {  	[tilespmem:s16], [sflag:$0x1] =	stream.indirect.gather [hbm4b:s5+s13], $0x10, s15, s13, $0xb8;
	[tilespmem:$0x175A0] =	vst v63  }
0x2a: {  	s15 =	simm.s32 $0x300;
	s16 =	simm.s32 $0x7E20  }
0x2b: {  	[tilespmem:s16], [sflag:$0x1] =	stream.indirect.gather [hbm4b:s5+s13], $0x10, s15, s13, $0xb8;
	[tilespmem:$0x175A0] =	vst v63  }
0x2c: {  	s15 =	simm.s32 $0x380;
	s16 =	simm.s32 $0x8620  }
0x2d: {  	[tilespmem:s16], [sflag:$0x1] =	stream.indirect.gather [hbm4b:s5+s13], $0x10, s15, s13, $0xb8;
	[tilespmem:$0x175A0] =	vst v63  }
0x2e: {  	s15 =	simm.s32 $0x400;
	s16 =	simm.s32 $0x8E20  }
0x2f: {  	[tilespmem:s16], [sflag:$0x1] =	stream.indirect.gather [hbm4b:s5+s13], $0x10, s15, s13, $0xb8;
	[tilespmem:$0x175A0] =	vst v63  }
0x30: {  	s15 =	simm.s32 $0x480;
	s16 =	simm.s32 $0x9620  }
0x31: {  	[tilespmem:s16], [sflag:$0x1] =	stream.indirect.gather [hbm4b:s5+s13], $0x10, s15, s13, $0xb8;
	[tilespmem:$0x175A0] =	vst v63  }
0x32: {  	s15 =	simm.s32 $0x500;
	s16 =	simm.s32 $0x9E20  }
0x33: {  	[tilespmem:s16], [sflag:$0x1] =	stream.indirect.gather [hbm4b:s5+s13], $0x10, s15, s13, $0xb8;
	[tilespmem:$0x175A0] =	vst v63  }
0x34: {  	s15 =	simm.s32 $0x580;
	s16 =	simm.s32 $0xA620  }
0x35: {  	[tilespmem:s16], [sflag:$0x1] =	stream.indirect.gather [hbm4b:s5+s13], $0x10, s15, s13, $0xb8;
	[tilespmem:$0x175A0] =	vst v63  }
0x36: {  	_ = 	snop  }
0x37: {  	[tilespmem:s18], [sflag:$0x1] =	stream.indirect.gather [hbm4b:s5+s13], $0x10, s17, s13, $0xb8;
	[tilespmem:$0x175A0] =	vst v63  }
0x38: {  	_ = 	snop  }
0x39: {  	[tilespmem:s20], [sflag:$0x1] =	stream.indirect.gather [hbm4b:s5+s13], $0x10, s19, s13, $0xb8;
	[tilespmem:$0x175A0] =	vst v63  }
0x3a: {  	_ = 	snop  }
0x3b: {  	[tilespmem:s22], [sflag:$0x1] =	stream.indirect.gather [hbm4b:s5+s13], $0x10, s21, s13, $0xb8;
	[tilespmem:$0x175A0] =	vst v63  }
0x3c: {  	s0 =	simm.s32 $0x20000;
	s2 =	simm.s32 $0x800;
	s15 =	simm.s32 $0x0  }
0x3d: {  	[tilespmem:s24], [sflag:$0x1] =	stream.indirect.gather [hbm4b:s5+s13], $0x10, s23, s13, $0xb8;
	[tilespmem:$0x175A0] =	vst v63  }
.LBB2_2:
0x3e: {  	_ =	swait.ge [sflag:s25], $0x800  }
0x3f: {  	p0 =	slt.u32 s15, $0x10;
	[sflag:s25] =	ssyncset.done $0x0  }
0x40: {  	s16 =	simm.s32 @!p0 $0x2;
	[sflag:s25] =	ssyncadd.s32 $0xFFFFF800  }
0x41: {  	p1 =	sgt.u32 @!p0 s15, $0x3D;
	_ =	swait.ge @!p0 [sflag:s16], $0x800  }
0x42: {  	p1 =	por p0, !p1;
	[sflag:s16] =	ssyncset.done @!p0 $0x0  }
0x43: {  	[sflag:s16] =	ssyncadd.s32 @!p0 $0xFFFFF800;
	s16 =	sand.u32 @p1 $0x3E000, s0  }
0x44: {  	s16 =	sshrl.u32 @p1 s16, $0x2  }
0x45: {  	s15 =	sadd.s32 $0x1, s15;
	s16 =	sadd.s32 @p1 $0x4E20, s16  }
0x46: {  	[tilespmem:s16], [sflag:$0x1] =	stream.indirect.gather @p1 [hbm4b:s5+s13], $0x10, s2, s13, $0xb8;
	[tilespmem:$0x175A0] =	vst v63  }
0x47: {  	p0 =	sne.s32 s15, $0x4E;
	s16 =	sadd.s32 $0xFFFE0000, s0  }
.Ltmp0:
0x48: {  	s16 =	sand.u32 $0x3E000, s16;
	(pc) =	sbr.rel @p0 .LBB2_2-.Ltmp0, $4  }
0x49: {  	s16 =	sshrl.u32 s16, $0x2  }
0x4a: {  	s16 =	sadd.s32 $0x4E20, s16  }
0x4b: {  	[spmem:s3] =	stream.indirect.scatter.add.f32 [tilespmem:s16], [sflag:$0x2], $0x10, s1, s13, $0xb8;
	[tilespmem:$0x175A0] =	vst v63  }
0x4c: {  	s0 =	sadd.s32 $0x2000, s0;
	s2 =	sadd.s32 $0x80, s2;
	s1 =	sadd.s32 $0x80, s1  }
0x4d: {  	_ =	swait.ge [sflag:s26], $0x800  }
0x4e: {  	[sflag:s26] =	ssyncset.done $0x0  }
0x4f: {  	[sflag:s26] =	ssyncadd.s32 $0xFFFFF800  }
0x50: {  	_ =	swait.ge [sflag:s26], $0x800  }
0x51: {  	[sflag:s26] =	ssyncset.done $0x0  }
0x52: {  	[sflag:s26] =	ssyncadd.s32 $0xFFFFF800  }
0x53: {  	_ =	swait.ge [sflag:s26], $0x800  }
0x54: {  	[sflag:s26] =	ssyncset.done $0x0  }
0x55: {  	[sflag:s26] =	ssyncadd.s32 $0xFFFFF800  }
0x56: {  	_ =	swait.ge [sflag:s26], $0x800  }
0x57: {  	[sflag:s26] =	ssyncset.done $0x0  }
0x58: {  	[sflag:s26] =	ssyncadd.s32 $0xFFFFF800  }
0x59: {  	_ =	swait.ge [sflag:s26], $0x800  }
0x5a: {  	[sflag:s26] =	ssyncset.done $0x0  }
0x5b: {  	[sflag:s26] =	ssyncadd.s32 $0xFFFFF800  }
0x5c: {  	_ =	swait.ge [sflag:s26], $0x800  }
0x5d: {  	[sflag:s26] =	ssyncset.done $0x0  }
0x5e: {  	[sflag:s26] =	ssyncadd.s32 $0xFFFFF800  }
0x5f: {  	_ =	swait.ge [sflag:s26], $0x800  }
0x60: {  	[sflag:s26] =	ssyncset.done $0x0  }
0x61: {  	[sflag:s26] =	ssyncadd.s32 $0xFFFFF800  }
0x62: {  	_ =	swait.ge [sflag:s26], $0x800  }
0x63: {  	[sflag:s26] =	ssyncset.done $0x0  }
0x64: {  	[sflag:s26] =	ssyncadd.s32 $0xFFFFF800  }
0x65: {  	_ =	swait.ge [sflag:s26], $0x800  }
0x66: {  	[sflag:s26] =	ssyncset.done $0x0  }
0x67: {  	[sflag:s26] =	ssyncadd.s32 $0xFFFFF800  }
0x68: {  	_ =	swait.ge [sflag:s26], $0x800  }
0x69: {  	[sflag:s26] =	ssyncset.done $0x0  }
0x6a: {  	[sflag:s26] =	ssyncadd.s32 $0xFFFFF800  }
0x6b: {  	_ =	swait.ge [sflag:s26], $0x800  }
0x6c: {  	[sflag:s26] =	ssyncset.done $0x0  }
0x6d: {  	[sflag:s26] =	ssyncadd.s32 $0xFFFFF800  }
0x6e: {  	_ =	swait.ge [sflag:s26], $0x800  }
0x6f: {  	[sflag:s26] =	ssyncset.done $0x0  }
0x70: {  	[sflag:s26] =	ssyncadd.s32 $0xFFFFF800  }
0x71: {  	_ =	swait.ge [sflag:s26], $0x800  }
0x72: {  	[sflag:s26] =	ssyncset.done $0x0  }
0x73: {  	[sflag:s26] =	ssyncadd.s32 $0xFFFFF800  }
0x74: {  	_ =	swait.ge [sflag:s26], $0x800  }
0x75: {  	[sflag:s26] =	ssyncset.done $0x0  }
0x76: {  	[sflag:s26] =	ssyncadd.s32 $0xFFFFF800  }
0x77: {  	_ =	swait.ge [sflag:s26], $0x800  }
0x78: {  	[sflag:s26] =	ssyncset.done $0x0  }
0x79: {  	[sflag:s26] =	ssyncadd.s32 $0xFFFFF800  }
0x7a: {  	_ =	swait.ge [sflag:s26], $0x800  }
0x7b: {  	[sflag:s26] =	ssyncset.done $0x0  }
0x7c: {  	[sflag:s26] =	ssyncadd.s32 $0xFFFFF800  }
0x7d: {  	[tilespmem:s14], [sflag:$0x1] =	stream.indirect.gather [hbm4b:s5+s28], $0x10, s29, s28, $0xb8;
	[tilespmem:$0x175A0] =	vst v63  }
0x7e: {  	_ =	swait.ge [sflag:s25], $0x100  }
0x7f: {  	[sflag:s25] =	ssyncset.done $0x0  }
0x80: {  	[sflag:s25] =	ssyncadd.s32 $0xFFFFFF00  }
0x81: {  	[spmem:s3] =	stream.indirect.scatter.add.f32 [tilespmem:s14], [sflag:$0x2], $0x10, s30, s28, $0xb8;
	[tilespmem:$0x175A0] =	vst v63  }
0x82: {  	_ =	swait.ge [sflag:s26], $0x100  }
0x83: {  	s31 =	sadd.s32 $0x1, s31;
	[sflag:s26] =	ssyncset.done $0x0  }
0x84: {  	p0 =	sne.s32 s31, s10;
	[sflag:s26] =	ssyncadd.s32 $0xFFFFFF00  }
.Ltmp1:
0x85: {  	[bflag:$0x0] =	sbarrier.arrive $0xFFFF;
	(pc) =	sbr.rel @p0 .LBB2_1-.Ltmp1, $4  }
0x86: {  	[hbm:s9], [sflag:s6] =	dma.local [spmem:s11], $0x4F0  }
0x87: {  	_ =	swait.ge [sflag:s12], $0x4F0  }
0x88: {  	[sflag:s12] =	ssyncset.done $0x0  }
0x89: {  	[sflag:s12] =	ssyncadd.s32 $0xFFFFFB10  }
0x8a: {  	_ =	sfence.sel $0x180000  }
0x8b: {  	[bflag:$0x0] =	sbarrier.arrive $0xFFFF  }
0x8c: {  	_ =	strace $0x9000004A  }
0x8d: {  	s0 =	stileid.u32;
	[bflag:$0x2] =	sbarrier.arrive $0xFFFF  }
0x8e: {  	p0 =	sne.s32 s0, $0x0;
	s0 =	rddreg [dreg:$0x3]  }
0x8f: {  	s0 =	sadd.s32 @!p0 $0x100000, s0  }
0x90: {  	[sflag:s0] =	ssyncadd.tile.s32 @!p0 $0x1;
	_ =	shalt  }
.Lfunc_end2:
_tile_overlayer_lowered:
.L_overlay_start_2:
0x91: {  	(tag) =	ssettag $0x2  }
0x92: {  	s0 =	rddreg [dreg:$0x0];
	s2 =	stileid.u32  }
0x93: {  	s1 =	rddreg [dreg:$0x1];
	p0 =	sne.s32 s2, $0x0  }
0x94: {  	s3 =	rddreg [dreg:$0x2];
	[bflag:$0x3] =	sbarrier.arrive $0xFFFF;
	s2 =	simm.s32 @!p0 $0x1C03  }
0x95: {  	[timem:s3], [sflag:s2] =	dma.local @!p0 [hbm:s0], s1  }
0x96: {  	s0 =	simm.s32 @!p0 $0x3  }
0x97: {  	_ =	swait.ge @!p0 [sflag:s0], s1  }
0x98: {  	s1 =	ssub.s32 @!p0 $0x0, s1;
	[sflag:s0] =	ssyncset.done @!p0 $0x0  }
0x99: {  	[sflag:s0] =	ssyncadd.s32 @!p0 s1  }
0x9a: {  	[bflag:$0x3] =	sbarrier.arrive $0xFFFF  }
0x9b: {  	_ =	shalt  }

// kernel: kernel.15.cloned.1.call-start
scs
__scs_entry_jumppad:
0x0: {  	(pc) =	sbr.rel $0x88, $3  }
0x1: {  	(tag) =	ssettag $0x0;
	lr =	simm.s32 $0x1  }
0x2: {  	[smem:$0x3F9D] =	sst lr;
	_ =	strace $0xD0000000  }
0x3: {  	_ = 	snop  }
0x4: {  	_ = 	snop  }
0x5: {  	_ = 	snop  }
0x6: {  	_ = 	snop  }
0x7: {  	_ = 	snop  }
__scs_overlays_trampoline_lowered:
0x8: {  	[smem:$0x3FAC] =	sst s0  }
0x9: {  	[smem:$0x3FAD] =	sst s1  }
0xa: {  	[smem:$0x3FAE] =	sst s2  }
0xb: {  	[smem:$0x3FAF] =	sst s3  }
0xc: {  	[smem:$0x3FB0] =	sst s4  }
0xd: {  	[smem:$0x3FB1] =	sst s5  }
0xe: {  	[smem:$0x3FB2] =	sst s6  }
0xf: {  	[smem:$0x3FB3] =	sst s7  }
0x10: {  	[smem:$0x3FB4] =	sst s8  }
0x11: {  	[smem:$0x3FB5] =	sst s9;
	s0 =	simm.s32 @!p0 $0x0  }
0x12: {  	s1 =	sld [smem:$0x3F9B];
	s0 =	simm.s32 @p0 $0x1  }
0x13: {  	[smem:$0x3FB6] =	sst s0;
	s0 =	simm.s32 @!p1 $0x0  }
0x14: {  	s2 =	sld [smem:$0x3F9A];
	s0 =	simm.s32 @p1 $0x1  }
0x15: {  	[smem:$0x3FB7] =	sst s0;
	s0 =	simm.s32 @!p2 $0x0  }
0x16: {  	s3 =	sld [smem:$0x3FDB];
	s0 =	simm.s32 @p2 $0x1  }
0x17: {  	s4 =	simm.s32 $0x1BF5;
	[smem:$0x3FB9] =	sst s0  }
0x18: {  	s0 =	sld [smem:$0x3F9C];
	_ =	swait.ge [sflag:s4], $0x0  }
0x19: {  	s7 =	sld [smem:$0x3F9D]  }
0x1a: {  	s8 =	sadd.s32 $0xFFFFE003, lr  }
0x1b: {  	s9 =	sadd.s32 $0xFFFFFEF7, lr;
	s5 =	simm.s32 $0xFFFFFFFF;
	p2 =	slt.u32 s8, $0xFFFFF086  }
0x1c: {  	p1 =	slt.u32 s9, $0xF7A;
	s5 =	simm.s32 @!p2 $0x0  }
0x1d: {  	s5 =	simm.s32 @p1 $0x1;
	p0 =	seq.s32 s7, s2  }
0x1e: {  	s7 =	smul.u32 @!p0 $0xF7A, s2;
	p2 =	seq.s32 @!p0 s5, $0x0  }
0x1f: {  	s9 =	smul.u32 $0xF7A, s1;
	s8 =	simm.s32 @!p0 $0x1BF5;
	p2 =	por !p2, p0  }
0x20: {  	[sflag:s8] =	ssyncset.s32 @!p0 $0xFFFFF086;
	s6 =	sadd.s32 @!p0 s3, s7;
	s7 =	simm.s32 @!p0 $0x108  }
0x21: {  	s3 =	sadd.s32 s3, s9;
	s6 =	sadd.s32 @!p0 $0x88, s6;
	s7 =	simm.s32 @p2 $0x1082  }
0x22: {  	[simem:s7], [sflag:s8] =	dma.local @!p0 [hbm:s6], $0xF7A  }
0x23: {  	s9 =	sor.u32 $0xD0000000, s2;
	s6 =	simm.s32 $0x108;
	_ =	swait.ge @!p0 [sflag:s8], $0x0  }
0x24: {  	s3 =	sadd.s32 $0x88, s3;
	s6 =	simm.s32 @!p1 $0x1082;
	[sflag:s4] =	ssyncset.s32 $0xFFFFF086  }
0x25: {  	[simem:s6], [sflag:s4] =	dma.local [hbm:s3], $0xF7A  }
0x26: {  	[smem:$0x3F9D] =	sst s1;
	(tag) =	ssettag s2;
	_ =	strace s9  }
0x27: {  	s1 =	sld [smem:$0x3FAD]  }
0x28: {  	s2 =	sld [smem:$0x3FAE]  }
0x29: {  	s4 =	sld [smem:$0x3FB0]  }
0x2a: {  	p0 =	seq.s32 s5, $0x0;
	s5 =	sld [smem:$0x3FB1]  }
0x2b: {  	s6 =	sld [smem:$0x3FB2]  }
0x2c: {  	s7 =	sld [smem:$0x3FB3]  }
0x2d: {  	s3 =	simm.s32 $0x108;
	s8 =	sld [smem:$0x3FB4]  }
0x2e: {  	s3 =	simm.s32 @!p0 $0x1082;
	s9 =	sld [smem:$0x3FB5]  }
0x2f: {  	lr =	sadd.s32 s0, s3;
	s0 =	sld [smem:$0x3FAC]  }
0x30: {  	s3 =	sld [smem:$0x3FAF]  }
0x31: {  	[smem:$0x3FB8] =	sst s10  }
0x32: {  	s10 =	sld [smem:$0x3FB6];
	_ =	sdelay $0x3  }
0x33: {  	p0 =	seq.s32 s10, $0x1;
	s10 =	sld [smem:$0x3FB8];
	_ =	sdelay $0x3  }
0x34: {  	[smem:$0x3FB8] =	sst s10  }
0x35: {  	s10 =	sld [smem:$0x3FB7];
	_ =	sdelay $0x3  }
0x36: {  	p1 =	seq.s32 s10, $0x1;
	s10 =	sld [smem:$0x3FB8];
	_ =	sdelay $0x3  }
0x37: {  	[smem:$0x3FB8] =	sst s10  }
0x38: {  	s10 =	sld [smem:$0x3FB9]  }
0x39: {  	_ = 	snop;
	(pc) =	sbr.ind lr, $3  }
0x3a: {  	_ = 	snop  }
0x3b: {  	_ = 	snop  }
0x3c: {  	p2 =	seq.s32 s10, $0x1;
	s10 =	sld [smem:$0x3FB8]  }
0x3d: {  	_ =	shalt  }
0x3e: {  	_ =	shalt  }
0x3f: {  	_ =	shalt  }
0x40: {  	_ =	shalt  }
0x41: {  	_ =	shalt  }
0x42: {  	_ =	shalt  }
0x43: {  	_ =	shalt  }
0x44: {  	_ =	shalt  }
0x45: {  	_ =	shalt  }
0x46: {  	_ =	shalt  }
0x47: {  	_ =	shalt  }
0x48: {  	_ =	shalt  }
0x49: {  	_ =	shalt  }
0x4a: {  	_ =	shalt  }
0x4b: {  	_ =	shalt  }
0x4c: {  	_ =	shalt  }
0x4d: {  	_ =	shalt  }
0x4e: {  	_ =	shalt  }
0x4f: {  	_ =	shalt  }
0x50: {  	_ =	shalt  }
0x51: {  	_ =	shalt  }
0x52: {  	_ =	shalt  }
0x53: {  	_ =	shalt  }
0x54: {  	_ =	shalt  }
0x55: {  	_ =	shalt  }
0x56: {  	_ =	shalt  }
0x57: {  	_ =	shalt  }
0x58: {  	_ =	shalt  }
0x59: {  	_ =	shalt  }
0x5a: {  	_ =	shalt  }
0x5b: {  	_ =	shalt  }
0x5c: {  	_ =	shalt  }
0x5d: {  	_ =	shalt  }
0x5e: {  	_ =	shalt  }
0x5f: {  	_ =	shalt  }
0x60: {  	_ =	shalt  }
0x61: {  	_ =	shalt  }
0x62: {  	_ =	shalt  }
0x63: {  	_ =	shalt  }
0x64: {  	_ =	shalt  }
0x65: {  	_ =	shalt  }
0x66: {  	_ =	shalt  }
0x67: {  	_ =	shalt  }
0x68: {  	_ =	shalt  }
0x69: {  	_ =	shalt  }
0x6a: {  	_ =	shalt  }
0x6b: {  	_ =	shalt  }
0x6c: {  	_ =	shalt  }
0x6d: {  	_ =	shalt  }
0x6e: {  	_ =	shalt  }
0x6f: {  	_ =	shalt  }
0x70: {  	_ =	shalt  }
0x71: {  	_ =	shalt  }
0x72: {  	_ =	shalt  }
0x73: {  	_ =	shalt  }
0x74: {  	_ =	shalt  }
0x75: {  	_ =	shalt  }
0x76: {  	_ =	shalt  }
0x77: {  	_ =	shalt  }
0x78: {  	_ =	shalt  }
0x79: {  	_ =	shalt  }
0x7a: {  	_ =	shalt  }
0x7b: {  	_ =	shalt  }
0x7c: {  	_ =	shalt  }
0x7d: {  	_ =	shalt  }
0x7e: {  	_ =	shalt  }
0x7f: {  	_ =	shalt  }
0x80: {  	_ =	shalt  }
0x81: {  	_ =	shalt  }
0x82: {  	_ =	shalt  }
0x83: {  	_ =	shalt  }
0x84: {  	_ =	shalt  }
0x85: {  	_ =	shalt  }
0x86: {  	_ =	shalt  }
0x87: {  	_ =	shalt  }
.Lfunc_end0:
.L_simem_size_0:
called_computation.2_lowered:
.L_overlay_start_0:
0x88: {  	s2 =	sld [smem:$0x3FD9]  }
0x89: {  	s3 =	sld [smem:$0x3FFE];
	_ =	sdelay $0x1  }
0x8a: {  	s1 =	srdreg.scid  }
0x8b: {  	s0 =	sand.u32 $0x1, s1  }
0x8c: {  	s17 =	sshll.u32 s0, $0xA;
	s2 =	sadd.s32 s3, s2  }
0x8d: {  	s2 =	sadd.s32 s2, s17  }
0x8e: {  	[smem:$0x3FC4] =	sst s2  }
0x8f: {  	_ = 	snop  }
0x90: {  	s2 =	sld [smem:$0x3FD0];
	(tm) =	ssettm $0x1  }
0x91: {  	s18 =	sld [smem:$0x3FFB];
	_ =	sdelay $0x3  }
0x92: {  	_ =	strace s18  }
0x93: {  	s3 =	sld [smem:$0x3FFC];
	_ =	sdelay $0x3  }
0x94: {  	_ =	strace s3  }
0x95: {  	s3 =	sld [smem:$0x3FFD];
	_ =	sdelay $0x3  }
0x96: {  	_ =	strace s3  }
0x97: {  	_ =	strace $0x8FFFFFFF  }
0x98: {  	s19 =	sld [smem:$0x3FDB];
	_ =	sdelay $0x1  }
0x99: {  	s4 =	simm.s32 $_scs_section_size  }
0x9a: {  	s5 =	simm.s32 $_size__tile_overlayer_lowered;
	s6 =	simm.s32 $_tile_overlayer_lowered  }
0x9b: {  	s22 =	simm.s32 $0x1BFF;
	s21 =	sshll.u32 s6, $0x1;
	s3 =	sadd.s32 s4, s19  }
0x9c: {  	s7 =	simm.s32 $0x0;
	s20 =	sshll.u32 s5, $0x1;
	s5 =	sadd.s32 s21, s3  }
0x9d: {  	[timem:s7], [sflag:s22] =	dma.local [hbm:s5], s20  }
0x9e: {  	_ =	swait.ge [sflag:s22], s20  }
0x9f: {  	s4 =	ssub.s32 $0x0, s20;
	[sflag:s22] =	ssyncset.done $0x0  }
0xa0: {  	[sflag:s22] =	ssyncadd.s32 s4;
	_ =	sdelay $0x1  }
0xa1: {  	s23 =	simm.s32 $0x1B8B  }
0xa2: {  	_ =	swait.ge [sflag:s23], $0x1  }
0xa3: {  	[sflag:s23] =	ssyncset.done $0x0  }
0xa4: {  	s25 =	simm.s32 $0x1B8E;
	s24 =	sld [smem:$0x3FFE];
	[sflag:s23] =	ssyncadd.s32 $0xFFFFFFFF  }
0xa5: {  	s26 =	simm.s32 $execute0_lowered;
	[smem:$0x3FD2] =	sst s25  }
0xa6: {  	s5 =	sshll.u32 s26, $0x1;
	_ =	strace $0x8000004C;
	[dreg:$0x1] =	wrdreg $0xFFFFFFFF  }
0xa7: {  	s28 =	simm.s32 $_size_execute0_lowered;
	s3 =	sadd.s32 s3, s5;
	[dreg:$0x0] =	wrdreg $0x0  }
0xa8: {  	s5 =	sshll.u32 s28, $0x1;
	[dreg:$0x2] =	wrdreg s3  }
0xa9: {  	[dreg:$0x3] =	wrdreg s5  }
0xaa: {  	[dreg:$0x4] =	wrdreg $0xC0  }
0xab: {  	_ =	task [dreg:s7], $0x5FFFF  }
0xac: {  	[dreg:$0x1] =	wrdreg $0xFFFFFFFF  }
0xad: {  	[dreg:$0x0] =	wrdreg $0x60  }
0xae: {  	[dreg:$0x2] =	wrdreg s24  }
0xaf: {  	[dreg:$0x3] =	wrdreg s2  }
0xb0: {  	[dreg:$0x4] =	wrdreg $0x14E200  }
0xb1: {  	[dreg:$0x5] =	wrdreg $0x9  }
0xb2: {  	_ =	task.clear_ibuf [dreg:s7], $0x6FFFF;
	_ =	strace $0x9000004C  }
0xb3: {  	s29 =	simm.s32 $0x9;
	_ =	strace $0x8000004E  }
0xb4: {  	_ =	swait.ge [sflag:s29], $0x1  }
0xb5: {  	[sflag:s29] =	ssyncadd.s32 $0xFFFFFFFF  }
0xb6: {  	_ =	strace $0x9000004E  }
0xb7: {  	_ =	sfence  }
0xb8: {  	s30 =	sld [smem:$0x0];
	_ =	sdelay $0x2  }
0xb9: {  	s31 =	sshll.u32 s1, $0xD;
	s1 =	sshrl.u32 s1, $0x2  }
0xba: {  	s3 =	sand.u32 $0x4000, s31;
	s1 =	sadd.s32 s1, s30  }
0xbb: {  	s0 =	sor.u32 s3, s0;
	s1 =	sshll.u32 s1, $0x11  }
0xbc: {  	s0 =	sor.u32 s1, s0  }
0xbd: {  	s0 =	sadd.s32 $0x8F2B, s0  }
0xbe: {  	[sflag:s0] =	ssyncadd.remote.s32 $0x1  }
0xbf: {  	_ =	sfence.sel $0xFFFF  }
0xc0: {  	[dreg:$0x0] =	wrdreg $0xFFFFFFFF;
	(pc) =	sbr.abs _section_cstart, $3  }
0xc1: {  	[dreg:$0x1] =	wrdreg $0xFFFFFFFF  }
0xc2: {  	_ =	task.clear_ibuf [dreg:s7], $0x2FFFF;
	_ =	strace $0x9FFFFFFF  }
0xc3: {  	(tm) =	ssettm $0x7FFFFFFF  }
tec
execute0_lowered:
.L_overlay_start_1:
0x0: {  	(tag) =	ssettag $0x1  }
0x1: {  	s0 =	srdreg.scid;
	s1 =	rddreg [dreg:$0x0]  }
0x2: {  	s9 =	stileid.u32;
	s3 =	rddreg [dreg:$0x2];
	s4 =	simm.s32 $0x0  }
0x3: {  	s12 =	simm.s32 $0x3;
	s13 =	simm.s32 $0x80;
	s14 =	simm.s32 $0x4E20  }
0x4: {  	s17 =	simm.s32 $0x600;
	s18 =	simm.s32 $0xAE20;
	s19 =	simm.s32 $0x680  }
0x5: {  	s20 =	simm.s32 $0xB620;
	s21 =	simm.s32 $0x700;
	s22 =	simm.s32 $0xBE20  }
0x6: {  	s23 =	simm.s32 $0x780;
	s24 =	simm.s32 $0xC620;
	s25 =	simm.s32 $0x1  }
0x7: {  	s28 =	simm.s32 $0x10;
	s29 =	simm.s32 $0x2700;
	s30 =	simm.s32 $0x4E10  }
0x8: {  	s31 =	simm.s32 $0x0;
	s0 =	sand.u32 $0x1, s0;
	s2 =	sshll.u32 s9, $0x1  }
0x9: {  	s6 =	smul.u32 $0x2780, s9;
	[smem:$0x7FF] =	sst s4;
	s5 =	sadd.s32 $0x16200, s1  }
0xa: {  	s26 =	sshll.u32 s9, $0x6;
	s2 =	sor.u32 s0, s2;
	s7 =	smul.u32 $0x27800, s0  }
0xb: {  	_ =	strace $0x8000004D;
	s0 =	ssub.s32 $0x2, s0;
	s2 =	smul.u32 $0x2710, s2  }
0xc: {  	s8 =	sshrl.u32 s0, $0x1;
	s11 =	sadd.s32 s6, s3;
	s7 =	sadd.s32 s6, s7  }
0xd: {  	s0 =	ssub.s32 s0, s8;
	s6 =	sor.u32 $0x1C03, s26;
	s11 =	sshrl.u32 s11, $0x3  }
0xe: {  	s26 =	simm.s32 $0x2;
	s2 =	sshrl.u32 s2, $0x3;
	s7 =	sshrl.u32 s7, $0x3  }
0xf: {  	s10 =	smax.u32 s0, $0x1;
	s2 =	sadd.s32 s2, s1;
	s1 =	sadd.s32 s7, s1  }
0x10: {  	s7 =	sadd.s32 $0x2800, s2;
	s8 =	sadd.s32 $0xC440, s2;
	s9 =	sadd.s32 $0x1B200, s1  }
.LBB2_1:
0x11: {  	s0 =	rddreg [dreg:$0x1]  }
0x12: {  	[spmem:s11], [sflag:s6] =	dma.local [hbm:s0], $0x4F0  }
0x13: {  	_ =	swait.ge [sflag:s12], $0x4F0  }
0x14: {  	[sflag:s12] =	ssyncset.done $0x0  }
0x15: {  	[sflag:s12] =	ssyncadd.s32 $0xFFFFFB10  }
0x16: {  	[tilespmem:s4], [sflag:$0x3] =	stream.linear.gather [hbm4b:s7+s4], $0x2710, $0x38;
	[tilespmem:$0x175A0] =	vst v63  }
0x17: {  	_ =	swait.ge [sflag:s12], $0x2710  }
0x18: {  	[sflag:s12] =	ssyncset.done $0x0  }
0x19: {  	s1 =	simm.s32 $0x2710;
	[sflag:s12] =	ssyncadd.s32 $0xFFFFD8F0  }
0x1a: {  	[tilespmem:s1], [sflag:$0x3] =	stream.linear.gather [hbm4b:s8+s4], $0x2710, $0x38;
	[tilespmem:$0x175A0] =	vst v63  }
0x1b: {  	_ =	swait.ge [sflag:s12], $0x2710  }
0x1c: {  	[sflag:s12] =	ssyncset.done $0x0  }
0x1d: {  	[sflag:s12] =	ssyncadd.s32 $0xFFFFD8F0  }
0x1e: {  	[bflag:$0x0] =	sbarrier.arrive $0xFFFF  }
0x1f: {  	[tilespmem:s14], [sflag:$0x1] =	stream.indirect.gather [hbm4b:s5+s13], $0x10, s4, s13, $0xb8;
	[tilespmem:$0x175A0] =	vst v63  }
0x20: {  	s15 =	simm.s32 $0x5620  }
0x21: {  	[tilespmem:s15], [sflag:$0x1] =	stream.indirect.gather [hbm4b:s5+s13], $0x10, s13, s13, $0xb8;
	[tilespmem:$0x175A0] =	vst v63  }
0x22: {  	s16 =	simm.s32 $0x100;
	s2 =	simm.s32 $0x5E20  }
0x23: {  	[tilespmem:s2], [sflag:$0x1] =	stream.indirect.gather [hbm4b:s5+s13], $0x10, s16, s13, $0xb8;
	[tilespmem:$0x175A0] =	vst v63  }
0x24: {  	s15 =	simm.s32 $0x180;
	s16 =	simm.s32 $0x6620  }
0x25: {  	[tilespmem:s16], [sflag:$0x1] =	stream.indirect.gather [hbm4b:s5+s13], $0x10, s15, s13, $0xb8;
	[tilespmem:$0x175A0] =	vst v63  }
0x26: {  	s15 =	simm.s32 $0x200;
	s16 =	simm.s32 $0x6E20  }
0x27: {  	[tilespmem:s16], [sflag:$0x1] =	stream.indirect.gather [hbm4b:s5+s13], $0x10, s15, s13, $0xb8;
	[tilespmem:$0x175A0] =	vst v63  }
0x28: {  	s15 =	simm.s32 $0x280;
	s16 =	simm.s32 $0x7620  }
0x29: {  	[tilespmem:s16], [sflag:$0x1] =	stream.indirect.gather [hbm4b:s5+s13], $0x10, s15, s13, $0xb8;
	[tilespmem:$0x175A0] =	vst v63  }
0x2a: {  	s15 =	simm.s32 $0x300;
	s16 =	simm.s32 $0x7E20  }
0x2b: {  	[tilespmem:s16], [sflag:$0x1] =	stream.indirect.gather [hbm4b:s5+s13], $0x10, s15, s13, $0xb8;
	[tilespmem:$0x175A0] =	vst v63  }
0x2c: {  	s15 =	simm.s32 $0x380;
	s16 =	simm.s32 $0x8620  }
0x2d: {  	[tilespmem:s16], [sflag:$0x1] =	stream.indirect.gather [hbm4b:s5+s13], $0x10, s15, s13, $0xb8;
	[tilespmem:$0x175A0] =	vst v63  }
0x2e: {  	s15 =	simm.s32 $0x400;
	s16 =	simm.s32 $0x8E20  }
0x2f: {  	[tilespmem:s16], [sflag:$0x1] =	stream.indirect.gather [hbm4b:s5+s13], $0x10, s15, s13, $0xb8;
	[tilespmem:$0x175A0] =	vst v63  }
0x30: {  	s15 =	simm.s32 $0x480;
	s16 =	simm.s32 $0x9620  }
0x31: {  	[tilespmem:s16], [sflag:$0x1] =	stream.indirect.gather [hbm4b:s5+s13], $0x10, s15, s13, $0xb8;
	[tilespmem:$0x175A0] =	vst v63  }
0x32: {  	s15 =	simm.s32 $0x500;
	s16 =	simm.s32 $0x9E20  }
0x33: {  	[tilespmem:s16], [sflag:$0x1] =	stream.indirect.gather [hbm4b:s5+s13], $0x10, s15, s13, $0xb8;
	[tilespmem:$0x175A0] =	vst v63  }
0x34: {  	s15 =	simm.s32 $0x580;
	s16 =	simm.s32 $0xA620  }
0x35: {  	[tilespmem:s16], [sflag:$0x1] =	stream.indirect.gather [hbm4b:s5+s13], $0x10, s15, s13, $0xb8;
	[tilespmem:$0x175A0] =	vst v63  }
0x36: {  	_ = 	snop  }
0x37: {  	[tilespmem:s18], [sflag:$0x1] =	stream.indirect.gather [hbm4b:s5+s13], $0x10, s17, s13, $0xb8;
	[tilespmem:$0x175A0] =	vst v63  }
0x38: {  	_ = 	snop  }
0x39: {  	[tilespmem:s20], [sflag:$0x1] =	stream.indirect.gather [hbm4b:s5+s13], $0x10, s19, s13, $0xb8;
	[tilespmem:$0x175A0] =	vst v63  }
0x3a: {  	_ = 	snop  }
0x3b: {  	[tilespmem:s22], [sflag:$0x1] =	stream.indirect.gather [hbm4b:s5+s13], $0x10, s21, s13, $0xb8;
	[tilespmem:$0x175A0] =	vst v63  }
0x3c: {  	s0 =	simm.s32 $0x20000;
	s2 =	simm.s32 $0x800;
	s15 =	simm.s32 $0x0  }
0x3d: {  	[tilespmem:s24], [sflag:$0x1] =	stream.indirect.gather [hbm4b:s5+s13], $0x10, s23, s13, $0xb8;
	[tilespmem:$0x175A0] =	vst v63  }
.LBB2_2:
0x3e: {  	_ =	swait.ge [sflag:s25], $0x800  }
0x3f: {  	p0 =	slt.u32 s15, $0x10;
	[sflag:s25] =	ssyncset.done $0x0  }
0x40: {  	s16 =	simm.s32 @!p0 $0x2;
	[sflag:s25] =	ssyncadd.s32 $0xFFFFF800  }
0x41: {  	p1 =	sgt.u32 @!p0 s15, $0x3D;
	_ =	swait.ge @!p0 [sflag:s16], $0x800  }
0x42: {  	p1 =	por p0, !p1;
	[sflag:s16] =	ssyncset.done @!p0 $0x0  }
0x43: {  	[sflag:s16] =	ssyncadd.s32 @!p0 $0xFFFFF800;
	s16 =	sand.u32 @p1 $0x3E000, s0  }
0x44: {  	s16 =	sshrl.u32 @p1 s16, $0x2  }
0x45: {  	s15 =	sadd.s32 $0x1, s15;
	s16 =	sadd.s32 @p1 $0x4E20, s16  }
0x46: {  	[tilespmem:s16], [sflag:$0x1] =	stream.indirect.gather @p1 [hbm4b:s5+s13], $0x10, s2, s13, $0xb8;
	[tilespmem:$0x175A0] =	vst v63  }
0x47: {  	p0 =	sne.s32 s15, $0x4E;
	s16 =	sadd.s32 $0xFFFE0000, s0  }
.Ltmp0:
0x48: {  	s16 =	sand.u32 $0x3E000, s16;
	(pc) =	sbr.rel @p0 .LBB2_2-.Ltmp0, $4  }
0x49: {  	s16 =	sshrl.u32 s16, $0x2  }
0x4a: {  	s16 =	sadd.s32 $0x4E20, s16  }
0x4b: {  	[spmem:s3] =	stream.indirect.scatter.add.f32 [tilespmem:s16], [sflag:$0x2], $0x10, s1, s13, $0xb8;
	[tilespmem:$0x175A0] =	vst v63  }
0x4c: {  	s0 =	sadd.s32 $0x2000, s0;
	s2 =	sadd.s32 $0x80, s2;
	s1 =	sadd.s32 $0x80, s1  }
0x4d: {  	_ =	swait.ge [sflag:s26], $0x800  }
0x4e: {  	[sflag:s26] =	ssyncset.done $0x0  }
0x4f: {  	[sflag:s26] =	ssyncadd.s32 $0xFFFFF800  }
0x50: {  	_ =	swait.ge [sflag:s26], $0x800  }
0x51: {  	[sflag:s26] =	ssyncset.done $0x0  }
0x52: {  	[sflag:s26] =	ssyncadd.s32 $0xFFFFF800  }
0x53: {  	_ =	swait.ge [sflag:s26], $0x800  }
0x54: {  	[sflag:s26] =	ssyncset.done $0x0  }
0x55: {  	[sflag:s26] =	ssyncadd.s32 $0xFFFFF800  }
0x56: {  	_ =	swait.ge [sflag:s26], $0x800  }
0x57: {  	[sflag:s26] =	ssyncset.done $0x0  }
0x58: {  	[sflag:s26] =	ssyncadd.s32 $0xFFFFF800  }
0x59: {  	_ =	swait.ge [sflag:s26], $0x800  }
0x5a: {  	[sflag:s26] =	ssyncset.done $0x0  }
0x5b: {  	[sflag:s26] =	ssyncadd.s32 $0xFFFFF800  }
0x5c: {  	_ =	swait.ge [sflag:s26], $0x800  }
0x5d: {  	[sflag:s26] =	ssyncset.done $0x0  }
0x5e: {  	[sflag:s26] =	ssyncadd.s32 $0xFFFFF800  }
0x5f: {  	_ =	swait.ge [sflag:s26], $0x800  }
0x60: {  	[sflag:s26] =	ssyncset.done $0x0  }
0x61: {  	[sflag:s26] =	ssyncadd.s32 $0xFFFFF800  }
0x62: {  	_ =	swait.ge [sflag:s26], $0x800  }
0x63: {  	[sflag:s26] =	ssyncset.done $0x0  }
0x64: {  	[sflag:s26] =	ssyncadd.s32 $0xFFFFF800  }
0x65: {  	_ =	swait.ge [sflag:s26], $0x800  }
0x66: {  	[sflag:s26] =	ssyncset.done $0x0  }
0x67: {  	[sflag:s26] =	ssyncadd.s32 $0xFFFFF800  }
0x68: {  	_ =	swait.ge [sflag:s26], $0x800  }
0x69: {  	[sflag:s26] =	ssyncset.done $0x0  }
0x6a: {  	[sflag:s26] =	ssyncadd.s32 $0xFFFFF800  }
0x6b: {  	_ =	swait.ge [sflag:s26], $0x800  }
0x6c: {  	[sflag:s26] =	ssyncset.done $0x0  }
0x6d: {  	[sflag:s26] =	ssyncadd.s32 $0xFFFFF800  }
0x6e: {  	_ =	swait.ge [sflag:s26], $0x800  }
0x6f: {  	[sflag:s26] =	ssyncset.done $0x0  }
0x70: {  	[sflag:s26] =	ssyncadd.s32 $0xFFFFF800  }
0x71: {  	_ =	swait.ge [sflag:s26], $0x800  }
0x72: {  	[sflag:s26] =	ssyncset.done $0x0  }
0x73: {  	[sflag:s26] =	ssyncadd.s32 $0xFFFFF800  }
0x74: {  	_ =	swait.ge [sflag:s26], $0x800  }
0x75: {  	[sflag:s26] =	ssyncset.done $0x0  }
0x76: {  	[sflag:s26] =	ssyncadd.s32 $0xFFFFF800  }
0x77: {  	_ =	swait.ge [sflag:s26], $0x800  }
0x78: {  	[sflag:s26] =	ssyncset.done $0x0  }
0x79: {  	[sflag:s26] =	ssyncadd.s32 $0xFFFFF800  }
0x7a: {  	_ =	swait.ge [sflag:s26], $0x800  }
0x7b: {  	[sflag:s26] =	ssyncset.done $0x0  }
0x7c: {  	[sflag:s26] =	ssyncadd.s32 $0xFFFFF800  }
0x7d: {  	[tilespmem:s14], [sflag:$0x1] =	stream.indirect.gather [hbm4b:s5+s28], $0x10, s29, s28, $0xb8;
	[tilespmem:$0x175A0] =	vst v63  }
0x7e: {  	_ =	swait.ge [sflag:s25], $0x100  }
0x7f: {  	[sflag:s25] =	ssyncset.done $0x0  }
0x80: {  	[sflag:s25] =	ssyncadd.s32 $0xFFFFFF00  }
0x81: {  	[spmem:s3] =	stream.indirect.scatter.add.f32 [tilespmem:s14], [sflag:$0x2], $0x10, s30, s28, $0xb8;
	[tilespmem:$0x175A0] =	vst v63  }
0x82: {  	_ =	swait.ge [sflag:s26], $0x100  }
0x83: {  	s31 =	sadd.s32 $0x1, s31;
	[sflag:s26] =	ssyncset.done $0x0  }
0x84: {  	p0 =	sne.s32 s31, s10;
	[sflag:s26] =	ssyncadd.s32 $0xFFFFFF00  }
.Ltmp1:
0x85: {  	[bflag:$0x0] =	sbarrier.arrive $0xFFFF;
	(pc) =	sbr.rel @p0 .LBB2_1-.Ltmp1, $4  }
0x86: {  	[hbm:s9], [sflag:s6] =	dma.local [spmem:s11], $0x4F0  }
0x87: {  	_ =	swait.ge [sflag:s12], $0x4F0  }
0x88: {  	[sflag:s12] =	ssyncset.done $0x0  }
0x89: {  	[sflag:s12] =	ssyncadd.s32 $0xFFFFFB10  }
0x8a: {  	_ =	sfence.sel $0x180000  }
0x8b: {  	[bflag:$0x0] =	sbarrier.arrive $0xFFFF  }
0x8c: {  	_ =	strace $0x9000004D  }
0x8d: {  	s0 =	stileid.u32;
	[bflag:$0x2] =	sbarrier.arrive $0xFFFF  }
0x8e: {  	p0 =	sne.s32 s0, $0x0;
	s0 =	rddreg [dreg:$0x3]  }
0x8f: {  	s0 =	sadd.s32 @!p0 $0x100000, s0  }
0x90: {  	[sflag:s0] =	ssyncadd.tile.s32 @!p0 $0x1;
	_ =	shalt  }
.Lfunc_end2:
_tile_overlayer_lowered:
.L_overlay_start_2:
0x91: {  	(tag) =	ssettag $0x2  }
0x92: {  	s0 =	rddreg [dreg:$0x0];
	s2 =	stileid.u32  }
0x93: {  	s1 =	rddreg [dreg:$0x1];
	p0 =	sne.s32 s2, $0x0  }
0x94: {  	s3 =	rddreg [dreg:$0x2];
	[bflag:$0x3] =	sbarrier.arrive $0xFFFF;
	s2 =	simm.s32 @!p0 $0x1C03  }
0x95: {  	[timem:s3], [sflag:s2] =	dma.local @!p0 [hbm:s0], s1  }
0x96: {  	s0 =	simm.s32 @!p0 $0x3  }
0x97: {  	_ =	swait.ge @!p0 [sflag:s0], s1  }
0x98: {  	s1 =	ssub.s32 @!p0 $0x0, s1;
	[sflag:s0] =	ssyncset.done @!p0 $0x0  }
0x99: {  	[sflag:s0] =	ssyncadd.s32 @!p0 s1  }
0x9a: {  	[bflag:$0x3] =	sbarrier.arrive $0xFFFF  }
0x9b: {  	_ =	shalt  }

// kernel: kernel.9.cloned.1.call-start
scs
__scs_entry_jumppad:
0x0: {  	(pc) =	sbr.rel $0x88, $3  }
0x1: {  	(tag) =	ssettag $0x0;
	lr =	simm.s32 $0x1  }
0x2: {  	[smem:$0x3F9D] =	sst lr;
	_ =	strace $0xD0000000  }
0x3: {  	_ = 	snop  }
0x4: {  	_ = 	snop  }
0x5: {  	_ = 	snop  }
0x6: {  	_ = 	snop  }
0x7: {  	_ = 	snop  }
__scs_overlays_trampoline_lowered:
0x8: {  	[smem:$0x3FAC] =	sst s0  }
0x9: {  	[smem:$0x3FAD] =	sst s1  }
0xa: {  	[smem:$0x3FAE] =	sst s2  }
0xb: {  	[smem:$0x3FAF] =	sst s3  }
0xc: {  	[smem:$0x3FB0] =	sst s4  }
0xd: {  	[smem:$0x3FB1] =	sst s5  }
0xe: {  	[smem:$0x3FB2] =	sst s6  }
0xf: {  	[smem:$0x3FB3] =	sst s7  }
0x10: {  	[smem:$0x3FB4] =	sst s8  }
0x11: {  	[smem:$0x3FB5] =	sst s9;
	s0 =	simm.s32 @!p0 $0x0  }
0x12: {  	s1 =	sld [smem:$0x3F9B];
	s0 =	simm.s32 @p0 $0x1  }
0x13: {  	[smem:$0x3FB6] =	sst s0;
	s0 =	simm.s32 @!p1 $0x0  }
0x14: {  	s2 =	sld [smem:$0x3F9A];
	s0 =	simm.s32 @p1 $0x1  }
0x15: {  	[smem:$0x3FB7] =	sst s0;
	s0 =	simm.s32 @!p2 $0x0  }
0x16: {  	s3 =	sld [smem:$0x3FDB];
	s0 =	simm.s32 @p2 $0x1  }
0x17: {  	s4 =	simm.s32 $0x1BF5;
	[smem:$0x3FB9] =	sst s0  }
0x18: {  	s0 =	sld [smem:$0x3F9C];
	_ =	swait.ge [sflag:s4], $0x0  }
0x19: {  	s7 =	sld [smem:$0x3F9D]  }
0x1a: {  	s8 =	sadd.s32 $0xFFFFE003, lr  }
0x1b: {  	s9 =	sadd.s32 $0xFFFFFEF7, lr;
	s5 =	simm.s32 $0xFFFFFFFF;
	p2 =	slt.u32 s8, $0xFFFFF086  }
0x1c: {  	p1 =	slt.u32 s9, $0xF7A;
	s5 =	simm.s32 @!p2 $0x0  }
0x1d: {  	s5 =	simm.s32 @p1 $0x1;
	p0 =	seq.s32 s7, s2  }
0x1e: {  	s7 =	smul.u32 @!p0 $0xF7A, s2;
	p2 =	seq.s32 @!p0 s5, $0x0  }
0x1f: {  	s9 =	smul.u32 $0xF7A, s1;
	s8 =	simm.s32 @!p0 $0x1BF5;
	p2 =	por !p2, p0  }
0x20: {  	[sflag:s8] =	ssyncset.s32 @!p0 $0xFFFFF086;
	s6 =	sadd.s32 @!p0 s3, s7;
	s7 =	simm.s32 @!p0 $0x108  }
0x21: {  	s3 =	sadd.s32 s3, s9;
	s6 =	sadd.s32 @!p0 $0x88, s6;
	s7 =	simm.s32 @p2 $0x1082  }
0x22: {  	[simem:s7], [sflag:s8] =	dma.local @!p0 [hbm:s6], $0xF7A  }
0x23: {  	s9 =	sor.u32 $0xD0000000, s2;
	s6 =	simm.s32 $0x108;
	_ =	swait.ge @!p0 [sflag:s8], $0x0  }
0x24: {  	s3 =	sadd.s32 $0x88, s3;
	s6 =	simm.s32 @!p1 $0x1082;
	[sflag:s4] =	ssyncset.s32 $0xFFFFF086  }
0x25: {  	[simem:s6], [sflag:s4] =	dma.local [hbm:s3], $0xF7A  }
0x26: {  	[smem:$0x3F9D] =	sst s1;
	(tag) =	ssettag s2;
	_ =	strace s9  }
0x27: {  	s1 =	sld [smem:$0x3FAD]  }
0x28: {  	s2 =	sld [smem:$0x3FAE]  }
0x29: {  	s4 =	sld [smem:$0x3FB0]  }
0x2a: {  	p0 =	seq.s32 s5, $0x0;
	s5 =	sld [smem:$0x3FB1]  }
0x2b: {  	s6 =	sld [smem:$0x3FB2]  }
0x2c: {  	s7 =	sld [smem:$0x3FB3]  }
0x2d: {  	s3 =	simm.s32 $0x108;
	s8 =	sld [smem:$0x3FB4]  }
0x2e: {  	s3 =	simm.s32 @!p0 $0x1082;
	s9 =	sld [smem:$0x3FB5]  }
0x2f: {  	lr =	sadd.s32 s0, s3;
	s0 =	sld [smem:$0x3FAC]  }
0x30: {  	s3 =	sld [smem:$0x3FAF]  }
0x31: {  	[smem:$0x3FB8] =	sst s10  }
0x32: {  	s10 =	sld [smem:$0x3FB6];
	_ =	sdelay $0x3  }
0x33: {  	p0 =	seq.s32 s10, $0x1;
	s10 =	sld [smem:$0x3FB8];
	_ =	sdelay $0x3  }
0x34: {  	[smem:$0x3FB8] =	sst s10  }
0x35: {  	s10 =	sld [smem:$0x3FB7];
	_ =	sdelay $0x3  }
0x36: {  	p1 =	seq.s32 s10, $0x1;
	s10 =	sld [smem:$0x3FB8];
	_ =	sdelay $0x3  }
0x37: {  	[smem:$0x3FB8] =	sst s10  }
0x38: {  	s10 =	sld [smem:$0x3FB9]  }
0x39: {  	_ = 	snop;
	(pc) =	sbr.ind lr, $3  }
0x3a: {  	_ = 	snop  }
0x3b: {  	_ = 	snop  }
0x3c: {  	p2 =	seq.s32 s10, $0x1;
	s10 =	sld [smem:$0x3FB8]  }
0x3d: {  	_ =	shalt  }
0x3e: {  	_ =	shalt  }
0x3f: {  	_ =	shalt  }
0x40: {  	_ =	shalt  }
0x41: {  	_ =	shalt  }
0x42: {  	_ =	shalt  }
0x43: {  	_ =	shalt  }
0x44: {  	_ =	shalt  }
0x45: {  	_ =	shalt  }
0x46: {  	_ =	shalt  }
0x47: {  	_ =	shalt  }
0x48: {  	_ =	shalt  }
0x49: {  	_ =	shalt  }
0x4a: {  	_ =	shalt  }
0x4b: {  	_ =	shalt  }
0x4c: {  	_ =	shalt  }
0x4d: {  	_ =	shalt  }
0x4e: {  	_ =	shalt  }
0x4f: {  	_ =	shalt  }
0x50: {  	_ =	shalt  }
0x51: {  	_ =	shalt  }
0x52: {  	_ =	shalt  }
0x53: {  	_ =	shalt  }
0x54: {  	_ =	shalt  }
0x55: {  	_ =	shalt  }
0x56: {  	_ =	shalt  }
0x57: {  	_ =	shalt  }
0x58: {  	_ =	shalt  }
0x59: {  	_ =	shalt  }
0x5a: {  	_ =	shalt  }
0x5b: {  	_ =	shalt  }
0x5c: {  	_ =	shalt  }
0x5d: {  	_ =	shalt  }
0x5e: {  	_ =	shalt  }
0x5f: {  	_ =	shalt  }
0x60: {  	_ =	shalt  }
0x61: {  	_ =	shalt  }
0x62: {  	_ =	shalt  }
0x63: {  	_ =	shalt  }
0x64: {  	_ =	shalt  }
0x65: {  	_ =	shalt  }
0x66: {  	_ =	shalt  }
0x67: {  	_ =	shalt  }
0x68: {  	_ =	shalt  }
0x69: {  	_ =	shalt  }
0x6a: {  	_ =	shalt  }
0x6b: {  	_ =	shalt  }
0x6c: {  	_ =	shalt  }
0x6d: {  	_ =	shalt  }
0x6e: {  	_ =	shalt  }
0x6f: {  	_ =	shalt  }
0x70: {  	_ =	shalt  }
0x71: {  	_ =	shalt  }
0x72: {  	_ =	shalt  }
0x73: {  	_ =	shalt  }
0x74: {  	_ =	shalt  }
0x75: {  	_ =	shalt  }
0x76: {  	_ =	shalt  }
0x77: {  	_ =	shalt  }
0x78: {  	_ =	shalt  }
0x79: {  	_ =	shalt  }
0x7a: {  	_ =	shalt  }
0x7b: {  	_ =	shalt  }
0x7c: {  	_ =	shalt  }
0x7d: {  	_ =	shalt  }
0x7e: {  	_ =	shalt  }
0x7f: {  	_ =	shalt  }
0x80: {  	_ =	shalt  }
0x81: {  	_ =	shalt  }
0x82: {  	_ =	shalt  }
0x83: {  	_ =	shalt  }
0x84: {  	_ =	shalt  }
0x85: {  	_ =	shalt  }
0x86: {  	_ =	shalt  }
0x87: {  	_ =	shalt  }
.Lfunc_end0:
.L_simem_size_0:
called_computation_lowered:
.L_overlay_start_0:
0x88: {  	s2 =	sld [smem:$0x3FD9]  }
0x89: {  	s3 =	sld [smem:$0x3FFE];
	_ =	sdelay $0x1  }
0x8a: {  	s1 =	srdreg.scid  }
0x8b: {  	s0 =	sand.u32 $0x1, s1  }
0x8c: {  	s17 =	sshll.u32 s0, $0xA;
	s2 =	sadd.s32 s3, s2  }
0x8d: {  	s2 =	sadd.s32 s2, s17  }
0x8e: {  	[smem:$0x3FC4] =	sst s2  }
0x8f: {  	_ = 	snop  }
0x90: {  	s2 =	sld [smem:$0x3FD0];
	(tm) =	ssettm $0x1  }
0x91: {  	s18 =	sld [smem:$0x3FFB];
	_ =	sdelay $0x3  }
0x92: {  	_ =	strace s18  }
0x93: {  	s3 =	sld [smem:$0x3FFC];
	_ =	sdelay $0x3  }
0x94: {  	_ =	strace s3  }
0x95: {  	s3 =	sld [smem:$0x3FFD];
	_ =	sdelay $0x3  }
0x96: {  	_ =	strace s3  }
0x97: {  	_ =	strace $0x8FFFFFFF  }
0x98: {  	s19 =	sld [smem:$0x3FDB];
	_ =	sdelay $0x1  }
0x99: {  	s4 =	simm.s32 $_scs_section_size  }
0x9a: {  	s5 =	simm.s32 $_size__tile_overlayer_lowered;
	s6 =	simm.s32 $_tile_overlayer_lowered  }
0x9b: {  	s22 =	simm.s32 $0x1BFF;
	s21 =	sshll.u32 s6, $0x1;
	s3 =	sadd.s32 s4, s19  }
0x9c: {  	s7 =	simm.s32 $0x0;
	s20 =	sshll.u32 s5, $0x1;
	s5 =	sadd.s32 s21, s3  }
0x9d: {  	[timem:s7], [sflag:s22] =	dma.local [hbm:s5], s20  }
0x9e: {  	_ =	swait.ge [sflag:s22], s20  }
0x9f: {  	s4 =	ssub.s32 $0x0, s20;
	[sflag:s22] =	ssyncset.done $0x0  }
0xa0: {  	[sflag:s22] =	ssyncadd.s32 s4;
	_ =	sdelay $0x1  }
0xa1: {  	s23 =	simm.s32 $0x1B8B  }
0xa2: {  	_ =	swait.ge [sflag:s23], $0x1  }
0xa3: {  	[sflag:s23] =	ssyncset.done $0x0  }
0xa4: {  	s25 =	simm.s32 $0x1B8E;
	s24 =	sld [smem:$0x3FFE];
	[sflag:s23] =	ssyncadd.s32 $0xFFFFFFFF  }
0xa5: {  	s26 =	simm.s32 $execute0_lowered;
	[smem:$0x3FD2] =	sst s25  }
0xa6: {  	s5 =	sshll.u32 s26, $0x1;
	_ =	strace $0x80000046;
	[dreg:$0x1] =	wrdreg $0xFFFFFFFF  }
0xa7: {  	s28 =	simm.s32 $_size_execute0_lowered;
	s3 =	sadd.s32 s3, s5;
	[dreg:$0x0] =	wrdreg $0x0  }
0xa8: {  	s5 =	sshll.u32 s28, $0x1;
	[dreg:$0x2] =	wrdreg s3  }
0xa9: {  	[dreg:$0x3] =	wrdreg s5  }
0xaa: {  	[dreg:$0x4] =	wrdreg $0xC0  }
0xab: {  	_ =	task [dreg:s7], $0x5FFFF  }
0xac: {  	[dreg:$0x1] =	wrdreg $0xFFFFFFFF  }
0xad: {  	[dreg:$0x0] =	wrdreg $0x60  }
0xae: {  	[dreg:$0x2] =	wrdreg s24  }
0xaf: {  	[dreg:$0x3] =	wrdreg s2  }
0xb0: {  	[dreg:$0x4] =	wrdreg $0x2F100  }
0xb1: {  	[dreg:$0x5] =	wrdreg $0x9  }
0xb2: {  	_ =	task.clear_ibuf [dreg:s7], $0x6FFFF;
	_ =	strace $0x90000046  }
0xb3: {  	s29 =	simm.s32 $0x9;
	_ =	strace $0x80000048  }
0xb4: {  	_ =	swait.ge [sflag:s29], $0x1  }
0xb5: {  	[sflag:s29] =	ssyncadd.s32 $0xFFFFFFFF  }
0xb6: {  	_ =	strace $0x90000048  }
0xb7: {  	_ =	sfence  }
0xb8: {  	s30 =	sld [smem:$0x0];
	_ =	sdelay $0x2  }
0xb9: {  	s31 =	sshll.u32 s1, $0xD;
	s1 =	sshrl.u32 s1, $0x2  }
0xba: {  	s3 =	sand.u32 $0x4000, s31;
	s1 =	sadd.s32 s1, s30  }
0xbb: {  	s0 =	sor.u32 s3, s0;
	s1 =	sshll.u32 s1, $0x11  }
0xbc: {  	s0 =	sor.u32 s1, s0  }
0xbd: {  	s0 =	sadd.s32 $0x8F2B, s0  }
0xbe: {  	[sflag:s0] =	ssyncadd.remote.s32 $0x1  }
0xbf: {  	_ =	sfence.sel $0xFFFF  }
0xc0: {  	[dreg:$0x0] =	wrdreg $0xFFFFFFFF;
	(pc) =	sbr.abs _section_cstart, $3  }
0xc1: {  	[dreg:$0x1] =	wrdreg $0xFFFFFFFF  }
0xc2: {  	_ =	task.clear_ibuf [dreg:s7], $0x2FFFF;
	_ =	strace $0x9FFFFFFF  }
0xc3: {  	(tm) =	ssettm $0x7FFFFFFF  }
tec
execute0_lowered:
.L_overlay_start_1:
0x0: {  	(tag) =	ssettag $0x1  }
0x1: {  	s6 =	rddreg [dreg:$0x0]  }
0x2: {  	s2 =	rddreg [dreg:$0x1]  }
0x3: {  	s3 =	rddreg [dreg:$0x2]  }
0x4: {  	s0 =	rddreg [dreg:$0x3]  }
0x5: {  	s4 =	srdreg.scid;
	s1 =	stileid.u32;
	s12 =	simm.s32 $0x2710  }
0x6: {  	s13 =	simm.s32 $0x80;
	s14 =	simm.s32 $0x1;
	s15 =	simm.s32 $0x10  }
0x7: {  	s16 =	simm.s32 $0x2700;
	s17 =	simm.s32 $0x0;
	s5 =	sand.u32 $0x1, s4  }
0x8: {  	s7 =	sshll.u32 s1, $0x1;
	s8 =	smul.u32 $0x2780, s1;
	s4 =	simm.s32 $0x0  }
0x9: {  	s31 =	sshll.u32 s1, $0x6;
	s7 =	sor.u32 s5, s7;
	s9 =	smul.u32 $0x27800, s5  }
0xa: {  	[smem:$0x7FF] =	sst s4;
	s10 =	ssub.s32 $0x2, s5;
	s5 =	sadd.s32 $0x16200, s6  }
0xb: {  	s7 =	smul.u32 $0x4E2, s7;
	_ =	strace $0x80000047;
	s9 =	sadd.s32 s8, s9  }
0xc: {  	s30 =	sshrl.u32 s10, $0x1;
	s11 =	sadd.s32 s8, s3;
	s9 =	sshrl.u32 s9, $0x3  }
0xd: {  	s10 =	ssub.s32 s10, s30;
	s7 =	sadd.s32 s7, s6;
	s9 =	sadd.s32 s9, s6  }
0xe: {  	s6 =	sor.u32 $0x1C02, s31;
	s7 =	sadd.s32 $0x2800, s7;
	s8 =	sadd.s32 $0x16400, s9  }
0xf: {  	s9 =	smax.u32 s10, $0x1;
	s10 =	sshrl.u32 s11, $0x3;
	s11 =	simm.s32 $0x2  }
.LBB2_1:
0x10: {  	[spmem:s10], [sflag:s6] =	dma.local [hbm:s2], $0x4F0  }
0x11: {  	_ =	swait.ge [sflag:s11], $0x4F0  }
0x12: {  	[sflag:s11] =	ssyncset.done $0x0  }
0x13: {  	[sflag:s11] =	ssyncadd.s32 $0xFFFFFB10  }
0x14: {  	[tilespmem:s4], [sflag:$0x2] =	stream.linear.gather [hbm4b:s7+s4], $0x2710, $0x38;
	[tilespmem:$0x5690] =	vst v63  }
0x15: {  	_ =	swait.ge [sflag:s11], $0x2710  }
0x16: {  	[sflag:s11] =	ssyncset.done $0x0  }
0x17: {  	[sflag:s11] =	ssyncadd.s32 $0xFFFFD8F0  }
0x18: {  	[tilespmem:s12], [sflag:$0x2] =	stream.linear.gather [hbm4b:s5+s4], $0x800, $0x38;
	[tilespmem:$0x5690] =	vst v63  }
0x19: {  	_ =	swait.ge [sflag:s11], $0x800  }
0x1a: {  	[sflag:s11] =	ssyncset.done $0x0  }
0x1b: {  	p0 =	por $0x1, $0x1;
	[sflag:s11] =	ssyncadd.s32 $0xFFFFF800  }
0x1c: {  	s20 =	simm.s32 @!p0 $0x1;
	[bflag:$0x0] =	sbarrier.arrive $0xFFFF  }
0x1d: {  	[spmem:s3] =	stream.indirect.scatter.add.f32 [tilespmem:s12], [sflag:$0x1], $0x10, s4, s13, $0xb8;
	[tilespmem:$0x5690] =	vst v63  }
0x1e: {  	_ =	swait.ge @!p0 [sflag:s20], $0x800  }
0x1f: {  	s18 =	simm.s32 $0x1;
	s19 =	simm.s32 $0x0;
	[sflag:s20] =	ssyncset.done @!p0 $0x0  }
.LBB2_2:
0x20: {  	[sflag:s20] =	ssyncadd.s32 @!p0 $0xFFFFF800  }
0x21: {  	s19 =	sadd.s32 $0x80, s19;
	s20 =	smov.u32 s18;
	s18 =	sadd.s32 $0x1, s18  }
0x22: {  	p1 =	sne.s32 s18, $0x4E  }
0x23: {  	[spmem:s3] =	stream.indirect.scatter.add.f32 [tilespmem:s12], [sflag:$0x1], $0x10, s19, s13, $0xb8;
	[tilespmem:$0x5690] =	vst v63  }
.Ltmp0:
0x24: {  	_ = 	snop;
	(pc) =	sbr.rel @p1 .LBB2_2-.Ltmp0, $4  }
0x25: {  	p0 =	slt.u32 s20, $0x18  }
0x26: {  	s20 =	simm.s32 @!p0 $0x1  }
0x27: {  	_ =	swait.ge @!p0 [sflag:s20], $0x800  }
0x28: {  	[sflag:s20] =	ssyncset.done @!p0 $0x0  }
0x29: {  	[sflag:s20] =	ssyncadd.s32 @!p0 $0xFFFFF800  }
0x2a: {  	_ =	swait.ge [sflag:s14], $0x800  }
0x2b: {  	[sflag:s14] =	ssyncset.done $0x0  }
0x2c: {  	[sflag:s14] =	ssyncadd.s32 $0xFFFFF800  }
0x2d: {  	_ =	swait.ge [sflag:s14], $0x800  }
0x2e: {  	[sflag:s14] =	ssyncset.done $0x0  }
0x2f: {  	[sflag:s14] =	ssyncadd.s32 $0xFFFFF800  }
0x30: {  	_ =	swait.ge [sflag:s14], $0x800  }
0x31: {  	[sflag:s14] =	ssyncset.done $0x0  }
0x32: {  	[sflag:s14] =	ssyncadd.s32 $0xFFFFF800  }
0x33: {  	_ =	swait.ge [sflag:s14], $0x800  }
0x34: {  	[sflag:s14] =	ssyncset.done $0x0  }
0x35: {  	[sflag:s14] =	ssyncadd.s32 $0xFFFFF800  }
0x36: {  	_ =	swait.ge [sflag:s14], $0x800  }
0x37: {  	[sflag:s14] =	ssyncset.done $0x0  }
0x38: {  	[sflag:s14] =	ssyncadd.s32 $0xFFFFF800  }
0x39: {  	_ =	swait.ge [sflag:s14], $0x800  }
0x3a: {  	[sflag:s14] =	ssyncset.done $0x0  }
0x3b: {  	[sflag:s14] =	ssyncadd.s32 $0xFFFFF800  }
0x3c: {  	_ =	swait.ge [sflag:s14], $0x800  }
0x3d: {  	[sflag:s14] =	ssyncset.done $0x0  }
0x3e: {  	[sflag:s14] =	ssyncadd.s32 $0xFFFFF800  }
0x3f: {  	_ =	swait.ge [sflag:s14], $0x800  }
0x40: {  	[sflag:s14] =	ssyncset.done $0x0  }
0x41: {  	[sflag:s14] =	ssyncadd.s32 $0xFFFFF800  }
0x42: {  	_ =	swait.ge [sflag:s14], $0x800  }
0x43: {  	[sflag:s14] =	ssyncset.done $0x0  }
0x44: {  	[sflag:s14] =	ssyncadd.s32 $0xFFFFF800  }
0x45: {  	_ =	swait.ge [sflag:s14], $0x800  }
0x46: {  	[sflag:s14] =	ssyncset.done $0x0  }
0x47: {  	[sflag:s14] =	ssyncadd.s32 $0xFFFFF800  }
0x48: {  	_ =	swait.ge [sflag:s14], $0x800  }
0x49: {  	[sflag:s14] =	ssyncset.done $0x0  }
0x4a: {  	[sflag:s14] =	ssyncadd.s32 $0xFFFFF800  }
0x4b: {  	_ =	swait.ge [sflag:s14], $0x800  }
0x4c: {  	[sflag:s14] =	ssyncset.done $0x0  }
0x4d: {  	[sflag:s14] =	ssyncadd.s32 $0xFFFFF800  }
0x4e: {  	_ =	swait.ge [sflag:s14], $0x800  }
0x4f: {  	[sflag:s14] =	ssyncset.done $0x0  }
0x50: {  	[sflag:s14] =	ssyncadd.s32 $0xFFFFF800  }
0x51: {  	_ =	swait.ge [sflag:s14], $0x800  }
0x52: {  	[sflag:s14] =	ssyncset.done $0x0  }
0x53: {  	[sflag:s14] =	ssyncadd.s32 $0xFFFFF800  }
0x54: {  	_ =	swait.ge [sflag:s14], $0x800  }
0x55: {  	[sflag:s14] =	ssyncset.done $0x0  }
0x56: {  	[sflag:s14] =	ssyncadd.s32 $0xFFFFF800  }
0x57: {  	_ =	swait.ge [sflag:s14], $0x800  }
0x58: {  	[sflag:s14] =	ssyncset.done $0x0  }
0x59: {  	[sflag:s14] =	ssyncadd.s32 $0xFFFFF800  }
0x5a: {  	_ =	swait.ge [sflag:s14], $0x800  }
0x5b: {  	[sflag:s14] =	ssyncset.done $0x0  }
0x5c: {  	[sflag:s14] =	ssyncadd.s32 $0xFFFFF800  }
0x5d: {  	_ =	swait.ge [sflag:s14], $0x800  }
0x5e: {  	[sflag:s14] =	ssyncset.done $0x0  }
0x5f: {  	[sflag:s14] =	ssyncadd.s32 $0xFFFFF800  }
0x60: {  	_ =	swait.ge [sflag:s14], $0x800  }
0x61: {  	[sflag:s14] =	ssyncset.done $0x0  }
0x62: {  	[sflag:s14] =	ssyncadd.s32 $0xFFFFF800  }
0x63: {  	_ =	swait.ge [sflag:s14], $0x800  }
0x64: {  	[sflag:s14] =	ssyncset.done $0x0  }
0x65: {  	[sflag:s14] =	ssyncadd.s32 $0xFFFFF800  }
0x66: {  	_ =	swait.ge [sflag:s14], $0x800  }
0x67: {  	[sflag:s14] =	ssyncset.done $0x0  }
0x68: {  	[sflag:s14] =	ssyncadd.s32 $0xFFFFF800  }
0x69: {  	_ =	swait.ge [sflag:s14], $0x800  }
0x6a: {  	[sflag:s14] =	ssyncset.done $0x0  }
0x6b: {  	[sflag:s14] =	ssyncadd.s32 $0xFFFFF800  }
0x6c: {  	_ =	swait.ge [sflag:s14], $0x800  }
0x6d: {  	[sflag:s14] =	ssyncset.done $0x0  }
0x6e: {  	[sflag:s14] =	ssyncadd.s32 $0xFFFFF800  }
0x6f: {  	_ =	swait.ge [sflag:s14], $0x800  }
0x70: {  	[sflag:s14] =	ssyncset.done $0x0  }
0x71: {  	[sflag:s14] =	ssyncadd.s32 $0xFFFFF800  }
0x72: {  	[spmem:s3] =	stream.indirect.scatter.add.f32 [tilespmem:s12], [sflag:$0x1], $0x10, s16, s15, $0xb8;
	[tilespmem:$0x5690] =	vst v63  }
0x73: {  	_ =	swait.ge [sflag:s14], $0x100  }
0x74: {  	s17 =	sadd.s32 $0x1, s17;
	[sflag:s14] =	ssyncset.done $0x0  }
0x75: {  	p0 =	sne.s32 s17, s9;
	[sflag:s14] =	ssyncadd.s32 $0xFFFFFF00  }
.Ltmp1:
0x76: {  	[bflag:$0x0] =	sbarrier.arrive $0xFFFF;
	(pc) =	sbr.rel @p0 .LBB2_1-.Ltmp1, $4  }
0x77: {  	[hbm:s8], [sflag:s6] =	dma.local [spmem:s10], $0x4F0  }
0x78: {  	_ =	swait.ge [sflag:s11], $0x4F0  }
0x79: {  	[sflag:s11] =	ssyncset.done $0x0  }
0x7a: {  	[sflag:s11] =	ssyncadd.s32 $0xFFFFFB10  }
0x7b: {  	_ =	sfence.sel $0x180000  }
0x7c: {  	[bflag:$0x0] =	sbarrier.arrive $0xFFFF  }
0x7d: {  	p0 =	sne.s32 s1, $0x0;
	_ =	strace $0x90000047  }
0x7e: {  	s0 =	sadd.s32 @!p0 $0x100000, s0;
	[bflag:$0x2] =	sbarrier.arrive $0xFFFF  }
0x7f: {  	[sflag:s0] =	ssyncadd.tile.s32 @!p0 $0x1;
	_ =	shalt  }
.Lfunc_end2:
_tile_overlayer_lowered:
.L_overlay_start_2:
0x80: {  	(tag) =	ssettag $0x2  }
0x81: {  	s0 =	rddreg [dreg:$0x0];
	s2 =	stileid.u32  }
0x82: {  	s1 =	rddreg [dreg:$0x1];
	p0 =	sne.s32 s2, $0x0  }
0x83: {  	s3 =	rddreg [dreg:$0x2];
	[bflag:$0x3] =	sbarrier.arrive $0xFFFF;
	s2 =	simm.s32 @!p0 $0x1C02  }
0x84: {  	[timem:s3], [sflag:s2] =	dma.local @!p0 [hbm:s0], s1  }
0x85: {  	s0 =	simm.s32 @!p0 $0x2  }
0x86: {  	_ =	swait.ge @!p0 [sflag:s0], s1  }
0x87: {  	s1 =	ssub.s32 @!p0 $0x0, s1;
	[sflag:s0] =	ssyncset.done @!p0 $0x0  }
0x88: {  	[sflag:s0] =	ssyncadd.s32 @!p0 s1  }
0x89: {  	[bflag:$0x3] =	sbarrier.arrive $0xFFFF  }
0x8a: {  	_ =	shalt  }

</sc_bundles>
